<compile_context>
chip_gen: v7x
topology: tpu7x:2x2x1
jax: 0.10.2.dev20260603
libtpu: 0.0.44.dev20260713+nightly
codegen_flags: <defaults>
</compile_context>

<pallas_src>
import functools

import jax
import jax.numpy as jnp
from jax import lax
from jax.experimental import pallas as pl
from jax.experimental.pallas import tpu as pltpu
from jax.experimental.pallas import tpu_sc as plsc

N_NODES = 10000
N_EDGES = 160000
D_IN = 256
D_HID = 512
N_CLASSES = 40
PC = 48
DGW = 32
XW = D_IN + DGW

NCORES = 2
NSUB = 16
N_PAD = 10240
STRIPE = N_PAD // NSUB

E_PER_TILE = N_EDGES // (2 * NSUB)
CH1 = 96
NF1 = E_PER_TILE // CH1
TAIL = E_PER_TILE - NF1 * CH1

RB = 2000
_F32 = jnp.float32
_BF16 = jnp.bfloat16


def _sage_sc_mesh():
    return plsc.VectorSubcoreMesh(core_axis_name="c", subcore_axis_name="s")


def _sc_edge_loop(table, src_v, dst_v, rows_v, acc_sh, sem, ch, nf):
    pltpu.async_copy(table.at[src_v.at[pl.ds(0, ch)]], rows_v.at[0], sem)

    def pair(t, _):
        for b in range(2):
            k = 2 * t + b
            pltpu.make_async_copy(
                table.at[src_v.at[pl.ds(k * ch, ch)]], rows_v.at[b], sem
            ).wait()

            @pl.when(k + 1 < nf)
            def _():
                pltpu.async_copy(
                    table.at[src_v.at[pl.ds((k + 1) * ch, ch)]],
                    rows_v.at[1 - b], sem)

            @pl.when(k + 1 == nf)
            def _():
                pltpu.async_copy(
                    table.at[src_v.at[pl.ds(nf * ch, TAIL)]],
                    rows_v.at[1 - b, pl.ds(0, TAIL)], sem)

            pltpu.sync_copy(rows_v.at[b],
                            acc_sh.at[dst_v.at[pl.ds(k * ch, ch)]], add=True)
        return 0

    lax.fori_loop(0, nf // 2, pair, 0)
    pltpu.make_async_copy(
        table.at[src_v.at[pl.ds(nf * ch, TAIL)]],
        rows_v.at[0, pl.ds(0, TAIL)], sem).wait()
    pltpu.sync_copy(rows_v.at[0, pl.ds(0, TAIL)],
                    acc_sh.at[dst_v.at[pl.ds(nf * ch, TAIL)]], add=True)


@functools.partial(
    pl.kernel,
    out_type=[
        jax.ShapeDtypeStruct((2, 2, N_PAD, 128), _BF16),
        jax.ShapeDtypeStruct((2, N_PAD, DGW), _BF16),
    ],
    mesh=_sage_sc_mesh(),
    compiler_params=pltpu.CompilerParams(use_tc_tiling_on_sc=False),
    scratch_types=[
        pltpu.VMEM_SHARED((N_PAD, XW), _BF16),
        pltpu.VMEM((E_PER_TILE,), jnp.int32),
        pltpu.VMEM((E_PER_TILE,), jnp.int32),
        pltpu.VMEM((2, CH1, XW), _BF16),
        pltpu.SemaphoreType.DMA,
    ],
)
def _k1_aggregate(xb, srcr, dstr, zrow,
                  agg_out, deg_out,
                  acc_sh, src_v, dst_v, rows_v, sem):
    cid = lax.axis_index("c")
    sid = lax.axis_index("s")
    r0 = sid * STRIPE

    pltpu.sync_copy(zrow, acc_sh.at[pl.ds(r0, STRIPE)])
    pltpu.sync_copy(srcr.at[cid, sid], src_v)
    pltpu.sync_copy(dstr.at[cid, sid], dst_v)
    plsc.subcore_barrier()

    _sc_edge_loop(xb, src_v, dst_v, rows_v, acc_sh, sem, CH1, NF1)

    plsc.subcore_barrier()
    rows = pl.ds(r0, STRIPE)
    pltpu.sync_copy(acc_sh.at[rows, pl.ds(0, 128)],
                    agg_out.at[cid, 0, rows])
    pltpu.sync_copy(acc_sh.at[rows, pl.ds(128, 128)],
                    agg_out.at[cid, 1, rows])
    pltpu.sync_copy(acc_sh.at[rows, pl.ds(D_IN, DGW)],
                    deg_out.at[cid, rows])


@functools.partial(
    pl.kernel,
    out_type=jax.ShapeDtypeStruct((2, N_PAD, PC), _F32),
    mesh=_sage_sc_mesh(),
    compiler_params=pltpu.CompilerParams(use_tc_tiling_on_sc=False),
    scratch_types=[
        pltpu.VMEM_SHARED((N_PAD, PC), _F32),
        pltpu.VMEM((E_PER_TILE,), jnp.int32),
        pltpu.VMEM((E_PER_TILE,), jnp.int32),
        pltpu.VMEM((2, CH1, PC), _F32),
        pltpu.SemaphoreType.DMA,
    ],
)
def _k3_aggregate(p_hbm, srcr, dstr, zrow,
                  agg_out,
                  acc_sh, src_v, dst_v, rows_v, sem):
    cid = lax.axis_index("c")
    sid = lax.axis_index("s")
    r0 = sid * STRIPE

    pltpu.sync_copy(zrow, acc_sh.at[pl.ds(r0, STRIPE)])
    pltpu.sync_copy(srcr.at[cid, sid], src_v)
    pltpu.sync_copy(dstr.at[cid, sid], dst_v)
    plsc.subcore_barrier()

    _sc_edge_loop(p_hbm, src_v, dst_v, rows_v, acc_sh, sem, CH1, NF1)

    plsc.subcore_barrier()
    pltpu.sync_copy(acc_sh.at[pl.ds(r0, STRIPE)],
                    agg_out.at[cid, pl.ds(r0, STRIPE)])


def _k2_body(agg, degp, x, wl1, wr1, b1, wl2, wr2, b2r, wcp, bcp,
             p_o, q_o, inv_o, wlc_s, wrc_s, bcc_s):
    @pl.when(pl.program_id(0) == 0)
    def _():
        wlc_s[...] = jnp.dot(wl2[...], wcp[...], preferred_element_type=_F32)
        wrc_s[...] = jnp.dot(wr2[...], wcp[...], preferred_element_type=_F32)
        bcc_s[...] = jnp.dot(b2r[...], wcp[...],
                             preferred_element_type=_F32) + bcp[...]

    d = degp[0].astype(_F32) + degp[1].astype(_F32)
    inv = 1.0 / jnp.maximum(d[:, 0:1], 1.0)
    inv_o[...] = jnp.broadcast_to(inv, (RB, PC))
    mlo = (agg[0, 0].astype(_F32) + agg[1, 0].astype(_F32)) * inv
    mhi = (agg[0, 1].astype(_F32) + agg[1, 1].astype(_F32)) * inv
    h = (jnp.dot(mlo, wl1[0:128, :], preferred_element_type=_F32)
         + jnp.dot(mhi, wl1[128:D_IN, :], preferred_element_type=_F32)
         + jnp.dot(x[...], wr1[...], preferred_element_type=_F32)
         + b1[...])
    h = jnp.maximum(h, 0.0)
    p_o[...] = jnp.dot(h, wlc_s[...], preferred_element_type=_F32)
    q_o[...] = jnp.dot(h, wrc_s[...], preferred_element_type=_F32) + bcc_s[...]


def _layer1_tc(agg1, degp, x, Wl1, Wr1, b1r, Wl2, Wr2, b2r, Wcp, bcp):
    nblk = N_NODES // RB
    full = lambda i: (0, 0)
    return pl.pallas_call(
        _k2_body,
        grid=(nblk,),
        in_specs=[
            pl.BlockSpec((2, 2, RB, 128), lambda i: (0, 0, i, 0)),
            pl.BlockSpec((2, RB, DGW), lambda i: (0, i, 0)),
            pl.BlockSpec((RB, D_IN), lambda i: (i, 0)),
            pl.BlockSpec((D_IN, D_HID), full),
            pl.BlockSpec((D_IN, D_HID), full),
            pl.BlockSpec((1, D_HID), full),
            pl.BlockSpec((D_HID, D_HID), full),
            pl.BlockSpec((D_HID, D_HID), full),
            pl.BlockSpec((1, D_HID), full),
            pl.BlockSpec((D_HID, PC), full),
            pl.BlockSpec((1, PC), full),
        ],
        out_specs=[
            pl.BlockSpec((RB, PC), lambda i: (i, 0)),
            pl.BlockSpec((RB, PC), lambda i: (i, 0)),
            pl.BlockSpec((RB, PC), lambda i: (i, 0)),
        ],
        out_shape=[
            jax.ShapeDtypeStruct((N_NODES, PC), _F32),
            jax.ShapeDtypeStruct((N_NODES, PC), _F32),
            jax.ShapeDtypeStruct((N_NODES, PC), _F32),
        ],
        scratch_shapes=[
            pltpu.VMEM((D_HID, PC), _F32),
            pltpu.VMEM((D_HID, PC), _F32),
            pltpu.VMEM((1, PC), _F32),
        ],
    )(agg1, degp, x, Wl1, Wr1, b1r, Wl2, Wr2, b2r, Wcp, bcp)


def _k4_body(agg2, invd, q, out):
    o = (agg2[0] + agg2[1]) * invd[...] + q[...]
    out[...] = o[:, 0:N_CLASSES]


def _finalize_tc(agg2, invd, q):
    nblk = N_NODES // RB
    return pl.pallas_call(
        _k4_body,
        grid=(nblk,),
        in_specs=[
            pl.BlockSpec((2, RB, PC), lambda i: (0, i, 0)),
            pl.BlockSpec((RB, PC), lambda i: (i, 0)),
            pl.BlockSpec((RB, PC), lambda i: (i, 0)),
        ],
        out_specs=pl.BlockSpec((RB, N_CLASSES), lambda i: (i, 0)),
        out_shape=jax.ShapeDtypeStruct((N_NODES, N_CLASSES), _F32),
    )(agg2, invd, q)


def kernel(x, edge_index, Wl1, Wr1, b1, Wl2, Wr2, b2, Wc, bc):
    src = edge_index[0].astype(jnp.int32)
    dst = edge_index[1].astype(jnp.int32)

    xb = jnp.concatenate(
        [x, jnp.ones((N_NODES, DGW), _F32)], axis=1).astype(_BF16)

    src3 = src.reshape(2, NSUB, E_PER_TILE)
    dst3 = dst.reshape(2, NSUB, E_PER_TILE)

    zx = jnp.zeros((STRIPE, XW), _BF16)
    zp = jnp.zeros((STRIPE, PC), _F32)

    b1r = b1.reshape(1, D_HID)
    b2r = b2.reshape(1, D_HID)
    Wcp = jnp.pad(Wc, ((0, 0), (0, PC - N_CLASSES)))
    bcp = jnp.pad(bc, (0, PC - N_CLASSES)).reshape(1, PC)

    agg1, degp = _k1_aggregate(xb, src3, dst3, zx)
    p, q, invd = _layer1_tc(agg1, degp, x, Wl1, Wr1, b1r, Wl2, Wr2, b2r,
                            Wcp, bcp)
    agg2 = _k3_aggregate(p, src3, dst3, zp)
    return _finalize_tc(agg2, invd, q)

# --- scband reference (transcript-rebuilt; emitter-appended) ---
"""Pipeline reference for scband-graph-mixup-23433341567772 (READ-ONLY COPY).

The authoritative reference and input builder live on the scoring server;
editing this copy changes nothing except your own understanding.
"""

import jax, jax.numpy as jnp
import numpy as np

N_NODES = 10000
N_EDGES = 160000
D_IN = 256
D_HID = 512
N_CLASSES = 40


def setup_inputs(seed: int = 0) -> dict:
    key = jax.random.key(seed)
    ks = jax.random.split(key, 10)
    x = jax.random.normal(ks[0], (N_NODES, D_IN), dtype=jnp.float32)
    edge_index = jax.random.randint(ks[1], (2, N_EDGES), 0, N_NODES, dtype=jnp.int64)
    s1 = 1.0 / np.sqrt(D_IN)
    s2 = 1.0 / np.sqrt(D_HID)
    Wl1 = jax.random.uniform(ks[2], (D_IN, D_HID), jnp.float32, -s1, s1)
    Wr1 = jax.random.uniform(ks[3], (D_IN, D_HID), jnp.float32, -s1, s1)
    b1 = jnp.zeros((D_HID,), jnp.float32)
    Wl2 = jax.random.uniform(ks[4], (D_HID, D_HID), jnp.float32, -s2, s2)
    Wr2 = jax.random.uniform(ks[5], (D_HID, D_HID), jnp.float32, -s2, s2)
    b2 = jnp.zeros((D_HID,), jnp.float32)
    Wc = jax.random.uniform(ks[6], (D_HID, N_CLASSES), jnp.float32, -s2, s2)
    bc = jnp.zeros((N_CLASSES,), jnp.float32)
    return {"x": x, "edge_index": edge_index, "Wl1": Wl1, "Wr1": Wr1, "b1": b1,
            "Wl2": Wl2, "Wr2": Wr2, "b2": b2, "Wc": Wc, "bc": bc}


def _sage_conv(x, src, dst, Wl, Wr, b):
    # PyG SAGEConv with mean aggregation:
    # out = lin_l(mean_{j in N(i)} x_j) + lin_r(x_i)
    n = x.shape[0]
    msgs = jnp.take(x, src, axis=0)
    agg = jax.ops.segment_sum(msgs, dst, num_segments=n)
    deg = jax.ops.segment_sum(jnp.ones((src.shape[0],), dtype=x.dtype), dst, num_segments=n)
    mean = agg / jnp.maximum(deg, 1.0)[:, None]
    return mean @ Wl + x @ Wr + b


def reference(x, edge_index, Wl1, Wr1, b1, Wl2, Wr2, b2, Wc, bc):
    src = edge_index[0]
    dst = edge_index[1]
    h = _sage_conv(x, src, dst, Wl1, Wr1, b1)
    h = jax.nn.relu(h)  # dropout is identity in eval mode
    h = _sage_conv(h, src, dst, Wl2, Wr2, b2)
    return h @ Wc + bc

if __name__ == "__main__":
    import jax
    _d = setup_inputs()
    print(jax.jit(kernel)(*tuple(_d.values())))

</pallas_src>

<mosaic_0001>
#map = affine_map<(d0, d1) -> (0, 0)>
#map1 = affine_map<(d0, d1) -> (0, 0, 0)>
#map2 = affine_map<(d0, d1) -> (0, 0, 0, 0)>
module attributes {stable_mosaic.version = 14 : i64} {
  func.func @_k1_aggregate(%arg0: i32, %arg1: i32, %arg2: memref<10000x288xbf16, #tpu.memory_space<hbm>>, %arg3: memref<2x16x5000xi32, #tpu.memory_space<hbm>>, %arg4: memref<2x16x5000xi32, #tpu.memory_space<hbm>>, %arg5: memref<640x288xbf16, #tpu.memory_space<hbm>>, %arg6: memref<2x2x10240x128xbf16, #tpu.memory_space<hbm>>, %arg7: memref<2x10240x32xbf16, #tpu.memory_space<hbm>>, %arg8: memref<10240x288xbf16, #tpu.memory_space<vmem_shared>>, %arg9: memref<5000xi32, #tpu.memory_space<vmem>>, %arg10: memref<5000xi32, #tpu.memory_space<vmem>>, %arg11: memref<2x96x288xbf16, #tpu.memory_space<vmem>>, %arg12: memref<!tpu.dma_semaphore, #tpu.memory_space<semaphore_mem>>) attributes {dimension_semantics = [#tpu.dimension_semantics<core_parallel>, #tpu.dimension_semantics<subcore_parallel>], iteration_bounds = array<i64: 2, 16>, scalar_prefetch = 0 : i64, scratch_operands = 5 : i64, tpu.core_type = #tpu.core_type<sc_vector_subcore>, window_params = [{transform_indices = #map}, {transform_indices = #map1}, {transform_indices = #map1}, {transform_indices = #map}, {transform_indices = #map2}, {transform_indices = #map1}]} {
    %mul3A = arith.constant 640 : i32
    %mul3A_0 = arith.muli %arg1, %mul3A : i32
    "tpu.region"() ({
      %run_scoped3A_28 = tpu.sem_alloc : memref<!tpu.dma_semaphore, #tpu.memory_space<semaphore_mem>>
      %dma_start3A_29 = arith.constant 0 : i32
      %dma_start3A_30 = tpu.memref_slice %arg8[%mul3A_0, %dma_start3A_29] : memref<10240x288xbf16, #tpu.memory_space<vmem_shared>> -> memref<640x288xbf16, #tpu.memory_space<vmem_shared>>
      tpu.enqueue_dma source(%arg5 : memref<640x288xbf16, #tpu.memory_space<hbm>>) target(%dma_start3A_30 : memref<640x288xbf16, #tpu.memory_space<vmem_shared>>) target_semaphore(%run_scoped3A_28 : memref<!tpu.dma_semaphore, #tpu.memory_space<semaphore_mem>>)
      %dma_wait3A_31 = arith.constant 0 : i32
      %dma_wait3A_32 = tpu.memref_slice %arg8[%mul3A_0, %dma_wait3A_31] : memref<10240x288xbf16, #tpu.memory_space<vmem_shared>> -> memref<640x288xbf16, #tpu.memory_space<vmem_shared>>
      tpu.wait_dma2 semaphore(%run_scoped3A_28 : memref<!tpu.dma_semaphore, #tpu.memory_space<semaphore_mem>>) src(%arg5 : memref<640x288xbf16, #tpu.memory_space<hbm>>) dst(%dma_wait3A_32 : memref<640x288xbf16, #tpu.memory_space<vmem_shared>>)
      tpu.yield
    }) : () -> ()
    "tpu.region"() ({
      %run_scoped3A_28 = tpu.sem_alloc : memref<!tpu.dma_semaphore, #tpu.memory_space<semaphore_mem>>
      %dma_start3A_29 = arith.constant 0 : i32
      %dma_start3A_30 = tpu.memref_slice %arg3[%arg0, %arg1, %dma_start3A_29] : memref<2x16x5000xi32, #tpu.memory_space<hbm>> -> memref<1x1x5000xi32, #tpu.memory_space<hbm>>
      %dma_start3A_31 = tpu.memref_squeeze %dma_start3A_30 : memref<1x1x5000xi32, #tpu.memory_space<hbm>> -> memref<5000xi32, #tpu.memory_space<hbm>>
      %dma_start3A_32 = arith.constant 0 : i32
      %dma_start3A_33 = tpu.memref_slice %arg3[%arg0, %arg1, %dma_start3A_32] : memref<2x16x5000xi32, #tpu.memory_space<hbm>> -> memref<1x1x5000xi32, #tpu.memory_space<hbm>>
      %dma_start3A_34 = tpu.memref_squeeze %dma_start3A_33 : memref<1x1x5000xi32, #tpu.memory_space<hbm>> -> memref<5000xi32, #tpu.memory_space<hbm>>
      tpu.enqueue_dma source(%dma_start3A_34 : memref<5000xi32, #tpu.memory_space<hbm>>) target(%arg9 : memref<5000xi32, #tpu.memory_space<vmem>>) target_semaphore(%run_scoped3A_28 : memref<!tpu.dma_semaphore, #tpu.memory_space<semaphore_mem>>)
      %dma_wait3A_35 = arith.constant 0 : i32
      %dma_wait3A_36 = tpu.memref_slice %arg3[%arg0, %arg1, %dma_wait3A_35] : memref<2x16x5000xi32, #tpu.memory_space<hbm>> -> memref<1x1x5000xi32, #tpu.memory_space<hbm>>
      %dma_wait3A_37 = tpu.memref_squeeze %dma_wait3A_36 : memref<1x1x5000xi32, #tpu.memory_space<hbm>> -> memref<5000xi32, #tpu.memory_space<hbm>>
      %dma_wait3A_38 = arith.constant 0 : i32
      %dma_wait3A_39 = tpu.memref_slice %arg3[%arg0, %arg1, %dma_wait3A_38] : memref<2x16x5000xi32, #tpu.memory_space<hbm>> -> memref<1x1x5000xi32, #tpu.memory_space<hbm>>
      %dma_wait3A_40 = tpu.memref_squeeze %dma_wait3A_39 : memref<1x1x5000xi32, #tpu.memory_space<hbm>> -> memref<5000xi32, #tpu.memory_space<hbm>>
      tpu.wait_dma2 semaphore(%run_scoped3A_28 : memref<!tpu.dma_semaphore, #tpu.memory_space<semaphore_mem>>) src(%dma_wait3A_40 : memref<5000xi32, #tpu.memory_space<hbm>>) dst(%arg9 : memref<5000xi32, #tpu.memory_space<vmem>>)
      tpu.yield
    }) : () -> ()
    "tpu.region"() ({
      %run_scoped3A_28 = tpu.sem_alloc : memref<!tpu.dma_semaphore, #tpu.memory_space<semaphore_mem>>
      %dma_start3A_29 = arith.constant 0 : i32
      %dma_start3A_30 = tpu.memref_slice %arg4[%arg0, %arg1, %dma_start3A_29] : memref<2x16x5000xi32, #tpu.memory_space<hbm>> -> memref<1x1x5000xi32, #tpu.memory_space<hbm>>
      %dma_start3A_31 = tpu.memref_squeeze %dma_start3A_30 : memref<1x1x5000xi32, #tpu.memory_space<hbm>> -> memref<5000xi32, #tpu.memory_space<hbm>>
      %dma_start3A_32 = arith.constant 0 : i32
      %dma_start3A_33 = tpu.memref_slice %arg4[%arg0, %arg1, %dma_start3A_32] : memref<2x16x5000xi32, #tpu.memory_space<hbm>> -> memref<1x1x5000xi32, #tpu.memory_space<hbm>>
      %dma_start3A_34 = tpu.memref_squeeze %dma_start3A_33 : memref<1x1x5000xi32, #tpu.memory_space<hbm>> -> memref<5000xi32, #tpu.memory_space<hbm>>
      tpu.enqueue_dma source(%dma_start3A_34 : memref<5000xi32, #tpu.memory_space<hbm>>) target(%arg10 : memref<5000xi32, #tpu.memory_space<vmem>>) target_semaphore(%run_scoped3A_28 : memref<!tpu.dma_semaphore, #tpu.memory_space<semaphore_mem>>)
      %dma_wait3A_35 = arith.constant 0 : i32
      %dma_wait3A_36 = tpu.memref_slice %arg4[%arg0, %arg1, %dma_wait3A_35] : memref<2x16x5000xi32, #tpu.memory_space<hbm>> -> memref<1x1x5000xi32, #tpu.memory_space<hbm>>
      %dma_wait3A_37 = tpu.memref_squeeze %dma_wait3A_36 : memref<1x1x5000xi32, #tpu.memory_space<hbm>> -> memref<5000xi32, #tpu.memory_space<hbm>>
      %dma_wait3A_38 = arith.constant 0 : i32
      %dma_wait3A_39 = tpu.memref_slice %arg4[%arg0, %arg1, %dma_wait3A_38] : memref<2x16x5000xi32, #tpu.memory_space<hbm>> -> memref<1x1x5000xi32, #tpu.memory_space<hbm>>
      %dma_wait3A_40 = tpu.memref_squeeze %dma_wait3A_39 : memref<1x1x5000xi32, #tpu.memory_space<hbm>> -> memref<5000xi32, #tpu.memory_space<hbm>>
      tpu.wait_dma2 semaphore(%run_scoped3A_28 : memref<!tpu.dma_semaphore, #tpu.memory_space<semaphore_mem>>) src(%dma_wait3A_40 : memref<5000xi32, #tpu.memory_space<hbm>>) dst(%arg10 : memref<5000xi32, #tpu.memory_space<vmem>>)
      tpu.yield
    }) : () -> ()
    %barrier3A = arith.constant 0 : index
    tpu.barrier barrier_id(%barrier3A)
    %dma_start3A = arith.constant 0 : i32
    %dma_start3A_1 = arith.constant 0 : i32
    %dma_start3A_2 = arith.constant 0 : i32
    %dma_start3A_3 = tpu.memref_slice %arg11[%dma_start3A, %dma_start3A_1, %dma_start3A_2] : memref<2x96x288xbf16, #tpu.memory_space<vmem>> -> memref<1x96x288xbf16, #tpu.memory_space<vmem>>
    %dma_start3A_4 = tpu.memref_squeeze %dma_start3A_3 : memref<1x96x288xbf16, #tpu.memory_space<vmem>> -> memref<96x288xbf16, #tpu.memory_space<vmem>>
    %dma_start3A_5 = arith.constant 0 : i32
    %dma_start3A_6 = tpu.memref_slice %arg9[%dma_start3A_5] : memref<5000xi32, #tpu.memory_space<vmem>> -> memref<96xi32, #tpu.memory_space<vmem>>
    %dma_start3A_7 = arith.constant 0 : i32
    %dma_start3A_8 = arith.constant 0 : i32
    %dma_start3A_9 = tpu.memref_slice %arg2[%dma_start3A_7, %dma_start3A_8] : memref<10000x288xbf16, #tpu.memory_space<hbm>> -> memref<10000x288xbf16, #tpu.memory_space<hbm>>
    tpu.enqueue_indirect_dma source(%dma_start3A_9 : memref<10000x288xbf16, #tpu.memory_space<hbm>>) target(%dma_start3A_4 : memref<96x288xbf16, #tpu.memory_space<vmem>>) offsets(%dma_start3A_6 : memref<96xi32, #tpu.memory_space<vmem>>) semaphore(%arg12 : memref<!tpu.dma_semaphore, #tpu.memory_space<semaphore_mem>>)
    %scan3A = arith.constant 0 : i32
    %scan3A_10 = arith.constant 0 : i32
    %scan3A_11 = arith.constant 26 : i32
    %scan3A_12 = arith.addi %scan3A_10, %scan3A_11 : i32
    %scan3A_13 = arith.constant 1 : i32
    %scan3A_14 = scf.for %scan3A_28 = %scan3A_10 to %scan3A_12 step %scan3A_13 iter_args(%scan3A_29 = %scan3A) -> (i32)  : i32 {
      %mul3A_30 = arith.constant 2 : i32
      %mul3A_31 = arith.muli %mul3A_30, %scan3A_28 : i32
      %add3A = arith.constant 0 : i32
      %add3A_32 = arith.addi %mul3A_31, %add3A : i32
      %mul3A_33 = arith.constant 96 : i32
      %mul3A_34 = arith.muli %add3A_32, %mul3A_33 : i32
      %dma_wait3A_35 = arith.constant 0 : i32
      %dma_wait3A_36 = arith.constant 0 : i32
      %dma_wait3A_37 = arith.constant 0 : i32
      %dma_wait3A_38 = tpu.memref_slice %arg11[%dma_wait3A_35, %dma_wait3A_36, %dma_wait3A_37] : memref<2x96x288xbf16, #tpu.memory_space<vmem>> -> memref<1x96x288xbf16, #tpu.memory_space<vmem>>
      %dma_wait3A_39 = tpu.memref_squeeze %dma_wait3A_38 : memref<1x96x288xbf16, #tpu.memory_space<vmem>> -> memref<96x288xbf16, #tpu.memory_space<vmem>>
      %dma_wait3A_40 = tpu.memref_slice %arg9[%mul3A_34] : memref<5000xi32, #tpu.memory_space<vmem>> -> memref<96xi32, #tpu.memory_space<vmem>>
      %dma_wait3A_41 = arith.constant 0 : i32
      %dma_wait3A_42 = arith.constant 0 : i32
      %dma_wait3A_43 = tpu.memref_slice %arg2[%dma_wait3A_41, %dma_wait3A_42] : memref<10000x288xbf16, #tpu.memory_space<hbm>> -> memref<10000x288xbf16, #tpu.memory_space<hbm>>
      tpu.wait_indirect_dma semaphore(%arg12 : memref<!tpu.dma_semaphore, #tpu.memory_space<semaphore_mem>>) src(%dma_wait3A_43 : memref<10000x288xbf16, #tpu.memory_space<hbm>>) dst(%dma_wait3A_39 : memref<96x288xbf16, #tpu.memory_space<vmem>>)
      %add3A_44 = arith.constant 1 : i32
      %add3A_45 = arith.addi %add3A_32, %add3A_44 : i32
      %lt3A = arith.constant 52 : i32
      %lt3A_46 = arith.cmpi slt, %add3A_45, %lt3A : i32
      %convert_element_type3A = arith.extui %lt3A_46 : i1 to i32
      %cond3A = arith.constant 0 : i32
      %cond3A_47 = arith.cmpi ne, %convert_element_type3A, %cond3A : i32
      scf.if %cond3A_47 {
        %add3A_90 = arith.constant 1 : i32
        %add3A_91 = arith.addi %add3A_32, %add3A_90 : i32
        %mul3A_92 = arith.constant 96 : i32
        %mul3A_93 = arith.muli %add3A_91, %mul3A_92 : i32
        %dma_start3A_94 = arith.constant 1 : i32
        %dma_start3A_95 = arith.constant 0 : i32
        %dma_start3A_96 = arith.constant 0 : i32
        %dma_start3A_97 = tpu.memref_slice %arg11[%dma_start3A_94, %dma_start3A_95, %dma_start3A_96] : memref<2x96x288xbf16, #tpu.memory_space<vmem>> -> memref<1x96x288xbf16, #tpu.memory_space<vmem>>
        %dma_start3A_98 = tpu.memref_squeeze %dma_start3A_97 : memref<1x96x288xbf16, #tpu.memory_space<vmem>> -> memref<96x288xbf16, #tpu.memory_space<vmem>>
        %dma_start3A_99 = tpu.memref_slice %arg9[%mul3A_93] : memref<5000xi32, #tpu.memory_space<vmem>> -> memref<96xi32, #tpu.memory_space<vmem>>
        %dma_start3A_100 = arith.constant 0 : i32
        %dma_start3A_101 = arith.constant 0 : i32
        %dma_start3A_102 = tpu.memref_slice %arg2[%dma_start3A_100, %dma_start3A_101] : memref<10000x288xbf16, #tpu.memory_space<hbm>> -> memref<10000x288xbf16, #tpu.memory_space<hbm>>
        tpu.enqueue_indirect_dma source(%dma_start3A_102 : memref<10000x288xbf16, #tpu.memory_space<hbm>>) target(%dma_start3A_98 : memref<96x288xbf16, #tpu.memory_space<vmem>>) offsets(%dma_start3A_99 : memref<96xi32, #tpu.memory_space<vmem>>) semaphore(%arg12 : memref<!tpu.dma_semaphore, #tpu.memory_space<semaphore_mem>>)
      } else {
      }
      %add3A_48 = arith.constant 1 : i32
      %add3A_49 = arith.addi %add3A_32, %add3A_48 : i32
      %eq3A = arith.constant 52 : i32
      %eq3A_50 = arith.cmpi eq, %add3A_49, %eq3A : i32
      %convert_element_type3A_51 = arith.extui %eq3A_50 : i1 to i32
      %cond3A_52 = arith.constant 0 : i32
      %cond3A_53 = arith.cmpi ne, %convert_element_type3A_51, %cond3A_52 : i32
      scf.if %cond3A_53 {
        %dma_start3A_90 = arith.constant 1 : i32
        %dma_start3A_91 = arith.constant 0 : i32
        %dma_start3A_92 = arith.constant 0 : i32
        %dma_start3A_93 = tpu.memref_slice %arg11[%dma_start3A_90, %dma_start3A_91, %dma_start3A_92] : memref<2x96x288xbf16, #tpu.memory_space<vmem>> -> memref<1x8x288xbf16, #tpu.memory_space<vmem>>
        %dma_start3A_94 = tpu.memref_squeeze %dma_start3A_93 : memref<1x8x288xbf16, #tpu.memory_space<vmem>> -> memref<8x288xbf16, #tpu.memory_space<vmem>>
        %dma_start3A_95 = arith.constant 4992 : i32
        %dma_start3A_96 = tpu.memref_slice %arg9[%dma_start3A_95] : memref<5000xi32, #tpu.memory_space<vmem>> -> memref<8xi32, #tpu.memory_space<vmem>>
        %dma_start3A_97 = arith.constant 0 : i32
        %dma_start3A_98 = arith.constant 0 : i32
        %dma_start3A_99 = tpu.memref_slice %arg2[%dma_start3A_97, %dma_start3A_98] : memref<10000x288xbf16, #tpu.memory_space<hbm>> -> memref<10000x288xbf16, #tpu.memory_space<hbm>>
        tpu.enqueue_indirect_dma source(%dma_start3A_99 : memref<10000x288xbf16, #tpu.memory_space<hbm>>) target(%dma_start3A_94 : memref<8x288xbf16, #tpu.memory_space<vmem>>) offsets(%dma_start3A_96 : memref<8xi32, #tpu.memory_space<vmem>>) semaphore(%arg12 : memref<!tpu.dma_semaphore, #tpu.memory_space<semaphore_mem>>)
      } else {
      }
      %mul3A_54 = arith.constant 96 : i32
      %mul3A_55 = arith.muli %add3A_32, %mul3A_54 : i32
      %run_scoped3A_56 = arith.constant 0 : i32
      "tpu.region"() ({
        %run_scoped3A_90 = tpu.sem_alloc : memref<!tpu.dma_semaphore, #tpu.memory_space<semaphore_mem>>
        %dma_start3A_91 = arith.constant 0 : i32
        %dma_start3A_92 = arith.constant 0 : i32
        %dma_start3A_93 = tpu.memref_slice %arg11[%run_scoped3A_56, %dma_start3A_91, %dma_start3A_92] : memref<2x96x288xbf16, #tpu.memory_space<vmem>> -> memref<1x96x288xbf16, #tpu.memory_space<vmem>>
        %dma_start3A_94 = tpu.memref_squeeze %dma_start3A_93 : memref<1x96x288xbf16, #tpu.memory_space<vmem>> -> memref<96x288xbf16, #tpu.memory_space<vmem>>
        %dma_start3A_95 = tpu.memref_slice %arg10[%mul3A_55] : memref<5000xi32, #tpu.memory_space<vmem>> -> memref<96xi32, #tpu.memory_space<vmem>>
        %dma_start3A_96 = arith.constant 0 : i32
        %dma_start3A_97 = arith.constant 0 : i32
        %dma_start3A_98 = tpu.memref_slice %arg8[%dma_start3A_96, %dma_start3A_97] : memref<10240x288xbf16, #tpu.memory_space<vmem_shared>> -> memref<10240x288xbf16, #tpu.memory_space<vmem_shared>>
        tpu.enqueue_indirect_dma source(%dma_start3A_94 : memref<96x288xbf16, #tpu.memory_space<vmem>>) target(%dma_start3A_98 : memref<10240x288xbf16, #tpu.memory_space<vmem_shared>>) offsets(%dma_start3A_95 : memref<96xi32, #tpu.memory_space<vmem>>) semaphore(%run_scoped3A_90 : memref<!tpu.dma_semaphore, #tpu.memory_space<semaphore_mem>>) {add = true}
        %dma_wait3A_99 = arith.constant 0 : i32
        %dma_wait3A_100 = arith.constant 0 : i32
        %dma_wait3A_101 = tpu.memref_slice %arg11[%run_scoped3A_56, %dma_wait3A_99, %dma_wait3A_100] : memref<2x96x288xbf16, #tpu.memory_space<vmem>> -> memref<1x96x288xbf16, #tpu.memory_space<vmem>>
        %dma_wait3A_102 = tpu.memref_squeeze %dma_wait3A_101 : memref<1x96x288xbf16, #tpu.memory_space<vmem>> -> memref<96x288xbf16, #tpu.memory_space<vmem>>
        %dma_wait3A_103 = tpu.memref_slice %arg10[%mul3A_55] : memref<5000xi32, #tpu.memory_space<vmem>> -> memref<96xi32, #tpu.memory_space<vmem>>
        %dma_wait3A_104 = arith.constant 0 : i32
        %dma_wait3A_105 = arith.constant 0 : i32
        %dma_wait3A_106 = tpu.memref_slice %arg8[%dma_wait3A_104, %dma_wait3A_105] : memref<10240x288xbf16, #tpu.memory_space<vmem_shared>> -> memref<10240x288xbf16, #tpu.memory_space<vmem_shared>>
        tpu.wait_indirect_dma semaphore(%run_scoped3A_90 : memref<!tpu.dma_semaphore, #tpu.memory_space<semaphore_mem>>) src(%dma_wait3A_102 : memref<96x288xbf16, #tpu.memory_space<vmem>>) dst(%dma_wait3A_106 : memref<10240x288xbf16, #tpu.memory_space<vmem_shared>>)
        tpu.yield
      }) : () -> ()
      %mul3A_57 = arith.constant 2 : i32
      %mul3A_58 = arith.muli %mul3A_57, %scan3A_28 : i32
      %add3A_59 = arith.constant 1 : i32
      %add3A_60 = arith.addi %mul3A_58, %add3A_59 : i32
      %mul3A_61 = arith.constant 96 : i32
      %mul3A_62 = arith.muli %add3A_60, %mul3A_61 : i32
      %dma_wait3A_63 = arith.constant 1 : i32
      %dma_wait3A_64 = arith.constant 0 : i32
      %dma_wait3A_65 = arith.constant 0 : i32
      %dma_wait3A_66 = tpu.memref_slice %arg11[%dma_wait3A_63, %dma_wait3A_64, %dma_wait3A_65] : memref<2x96x288xbf16, #tpu.memory_space<vmem>> -> memref<1x96x288xbf16, #tpu.memory_space<vmem>>
      %dma_wait3A_67 = tpu.memref_squeeze %dma_wait3A_66 : memref<1x96x288xbf16, #tpu.memory_space<vmem>> -> memref<96x288xbf16, #tpu.memory_space<vmem>>
      %dma_wait3A_68 = tpu.memref_slice %arg9[%mul3A_62] : memref<5000xi32, #tpu.memory_space<vmem>> -> memref<96xi32, #tpu.memory_space<vmem>>
      %dma_wait3A_69 = arith.constant 0 : i32
      %dma_wait3A_70 = arith.constant 0 : i32
      %dma_wait3A_71 = tpu.memref_slice %arg2[%dma_wait3A_69, %dma_wait3A_70] : memref<10000x288xbf16, #tpu.memory_space<hbm>> -> memref<10000x288xbf16, #tpu.memory_space<hbm>>
      tpu.wait_indirect_dma semaphore(%arg12 : memref<!tpu.dma_semaphore, #tpu.memory_space<semaphore_mem>>) src(%dma_wait3A_71 : memref<10000x288xbf16, #tpu.memory_space<hbm>>) dst(%dma_wait3A_67 : memref<96x288xbf16, #tpu.memory_space<vmem>>)
      %add3A_72 = arith.constant 1 : i32
      %add3A_73 = arith.addi %add3A_60, %add3A_72 : i32
      %lt3A_74 = arith.constant 52 : i32
      %lt3A_75 = arith.cmpi slt, %add3A_73, %lt3A_74 : i32
      %convert_element_type3A_76 = arith.extui %lt3A_75 : i1 to i32
      %cond3A_77 = arith.constant 0 : i32
      %cond3A_78 = arith.cmpi ne, %convert_element_type3A_76, %cond3A_77 : i32
      scf.if %cond3A_78 {
        %add3A_90 = arith.constant 1 : i32
        %add3A_91 = arith.addi %add3A_60, %add3A_90 : i32
        %mul3A_92 = arith.constant 96 : i32
        %mul3A_93 = arith.muli %add3A_91, %mul3A_92 : i32
        %dma_start3A_94 = arith.constant 0 : i32
        %dma_start3A_95 = arith.constant 0 : i32
        %dma_start3A_96 = arith.constant 0 : i32
        %dma_start3A_97 = tpu.memref_slice %arg11[%dma_start3A_94, %dma_start3A_95, %dma_start3A_96] : memref<2x96x288xbf16, #tpu.memory_space<vmem>> -> memref<1x96x288xbf16, #tpu.memory_space<vmem>>
        %dma_start3A_98 = tpu.memref_squeeze %dma_start3A_97 : memref<1x96x288xbf16, #tpu.memory_space<vmem>> -> memref<96x288xbf16, #tpu.memory_space<vmem>>
        %dma_start3A_99 = tpu.memref_slice %arg9[%mul3A_93] : memref<5000xi32, #tpu.memory_space<vmem>> -> memref<96xi32, #tpu.memory_space<vmem>>
        %dma_start3A_100 = arith.constant 0 : i32
        %dma_start3A_101 = arith.constant 0 : i32
        %dma_start3A_102 = tpu.memref_slice %arg2[%dma_start3A_100, %dma_start3A_101] : memref<10000x288xbf16, #tpu.memory_space<hbm>> -> memref<10000x288xbf16, #tpu.memory_space<hbm>>
        tpu.enqueue_indirect_dma source(%dma_start3A_102 : memref<10000x288xbf16, #tpu.memory_space<hbm>>) target(%dma_start3A_98 : memref<96x288xbf16, #tpu.memory_space<vmem>>) offsets(%dma_start3A_99 : memref<96xi32, #tpu.memory_space<vmem>>) semaphore(%arg12 : memref<!tpu.dma_semaphore, #tpu.memory_space<semaphore_mem>>)
      } else {
      }
      %add3A_79 = arith.constant 1 : i32
      %add3A_80 = arith.addi %add3A_60, %add3A_79 : i32
      %eq3A_81 = arith.constant 52 : i32
      %eq3A_82 = arith.cmpi eq, %add3A_80, %eq3A_81 : i32
      %convert_element_type3A_83 = arith.extui %eq3A_82 : i1 to i32
      %cond3A_84 = arith.constant 0 : i32
      %cond3A_85 = arith.cmpi ne, %convert_element_type3A_83, %cond3A_84 : i32
      scf.if %cond3A_85 {
        %dma_start3A_90 = arith.constant 0 : i32
        %dma_start3A_91 = arith.constant 0 : i32
        %dma_start3A_92 = arith.constant 0 : i32
        %dma_start3A_93 = tpu.memref_slice %arg11[%dma_start3A_90, %dma_start3A_91, %dma_start3A_92] : memref<2x96x288xbf16, #tpu.memory_space<vmem>> -> memref<1x8x288xbf16, #tpu.memory_space<vmem>>
        %dma_start3A_94 = tpu.memref_squeeze %dma_start3A_93 : memref<1x8x288xbf16, #tpu.memory_space<vmem>> -> memref<8x288xbf16, #tpu.memory_space<vmem>>
        %dma_start3A_95 = arith.constant 4992 : i32
        %dma_start3A_96 = tpu.memref_slice %arg9[%dma_start3A_95] : memref<5000xi32, #tpu.memory_space<vmem>> -> memref<8xi32, #tpu.memory_space<vmem>>
        %dma_start3A_97 = arith.constant 0 : i32
        %dma_start3A_98 = arith.constant 0 : i32
        %dma_start3A_99 = tpu.memref_slice %arg2[%dma_start3A_97, %dma_start3A_98] : memref<10000x288xbf16, #tpu.memory_space<hbm>> -> memref<10000x288xbf16, #tpu.memory_space<hbm>>
        tpu.enqueue_indirect_dma source(%dma_start3A_99 : memref<10000x288xbf16, #tpu.memory_space<hbm>>) target(%dma_start3A_94 : memref<8x288xbf16, #tpu.memory_space<vmem>>) offsets(%dma_start3A_96 : memref<8xi32, #tpu.memory_space<vmem>>) semaphore(%arg12 : memref<!tpu.dma_semaphore, #tpu.memory_space<semaphore_mem>>)
      } else {
      }
      %mul3A_86 = arith.constant 96 : i32
      %mul3A_87 = arith.muli %add3A_60, %mul3A_86 : i32
      %run_scoped3A_88 = arith.constant 1 : i32
      "tpu.region"() ({
        %run_scoped3A_90 = tpu.sem_alloc : memref<!tpu.dma_semaphore, #tpu.memory_space<semaphore_mem>>
        %dma_start3A_91 = arith.constant 0 : i32
        %dma_start3A_92 = arith.constant 0 : i32
        %dma_start3A_93 = tpu.memref_slice %arg11[%run_scoped3A_88, %dma_start3A_91, %dma_start3A_92] : memref<2x96x288xbf16, #tpu.memory_space<vmem>> -> memref<1x96x288xbf16, #tpu.memory_space<vmem>>
        %dma_start3A_94 = tpu.memref_squeeze %dma_start3A_93 : memref<1x96x288xbf16, #tpu.memory_space<vmem>> -> memref<96x288xbf16, #tpu.memory_space<vmem>>
        %dma_start3A_95 = tpu.memref_slice %arg10[%mul3A_87] : memref<5000xi32, #tpu.memory_space<vmem>> -> memref<96xi32, #tpu.memory_space<vmem>>
        %dma_start3A_96 = arith.constant 0 : i32
        %dma_start3A_97 = arith.constant 0 : i32
        %dma_start3A_98 = tpu.memref_slice %arg8[%dma_start3A_96, %dma_start3A_97] : memref<10240x288xbf16, #tpu.memory_space<vmem_shared>> -> memref<10240x288xbf16, #tpu.memory_space<vmem_shared>>
        tpu.enqueue_indirect_dma source(%dma_start3A_94 : memref<96x288xbf16, #tpu.memory_space<vmem>>) target(%dma_start3A_98 : memref<10240x288xbf16, #tpu.memory_space<vmem_shared>>) offsets(%dma_start3A_95 : memref<96xi32, #tpu.memory_space<vmem>>) semaphore(%run_scoped3A_90 : memref<!tpu.dma_semaphore, #tpu.memory_space<semaphore_mem>>) {add = true}
        %dma_wait3A_99 = arith.constant 0 : i32
        %dma_wait3A_100 = arith.constant 0 : i32
        %dma_wait3A_101 = tpu.memref_slice %arg11[%run_scoped3A_88, %dma_wait3A_99, %dma_wait3A_100] : memref<2x96x288xbf16, #tpu.memory_space<vmem>> -> memref<1x96x288xbf16, #tpu.memory_space<vmem>>
        %dma_wait3A_102 = tpu.memref_squeeze %dma_wait3A_101 : memref<1x96x288xbf16, #tpu.memory_space<vmem>> -> memref<96x288xbf16, #tpu.memory_space<vmem>>
        %dma_wait3A_103 = tpu.memref_slice %arg10[%mul3A_87] : memref<5000xi32, #tpu.memory_space<vmem>> -> memref<96xi32, #tpu.memory_space<vmem>>
        %dma_wait3A_104 = arith.constant 0 : i32
        %dma_wait3A_105 = arith.constant 0 : i32
        %dma_wait3A_106 = tpu.memref_slice %arg8[%dma_wait3A_104, %dma_wait3A_105] : memref<10240x288xbf16, #tpu.memory_space<vmem_shared>> -> memref<10240x288xbf16, #tpu.memory_space<vmem_shared>>
        tpu.wait_indirect_dma semaphore(%run_scoped3A_90 : memref<!tpu.dma_semaphore, #tpu.memory_space<semaphore_mem>>) src(%dma_wait3A_102 : memref<96x288xbf16, #tpu.memory_space<vmem>>) dst(%dma_wait3A_106 : memref<10240x288xbf16, #tpu.memory_space<vmem_shared>>)
        tpu.yield
      }) : () -> ()
      %scan3A_89 = arith.constant 0 : i32
      scf.yield %scan3A_89 : i32
    }
    %scan3A_15 = arith.constant 26 : i32
    %dma_wait3A = arith.constant 0 : i32
    %dma_wait3A_16 = arith.constant 0 : i32
    %dma_wait3A_17 = arith.constant 0 : i32
    %dma_wait3A_18 = tpu.memref_slice %arg11[%dma_wait3A, %dma_wait3A_16, %dma_wait3A_17] : memref<2x96x288xbf16, #tpu.memory_space<vmem>> -> memref<1x8x288xbf16, #tpu.memory_space<vmem>>
    %dma_wait3A_19 = tpu.memref_squeeze %dma_wait3A_18 : memref<1x8x288xbf16, #tpu.memory_space<vmem>> -> memref<8x288xbf16, #tpu.memory_space<vmem>>
    %dma_wait3A_20 = arith.constant 4992 : i32
    %dma_wait3A_21 = tpu.memref_slice %arg9[%dma_wait3A_20] : memref<5000xi32, #tpu.memory_space<vmem>> -> memref<8xi32, #tpu.memory_space<vmem>>
    %dma_wait3A_22 = arith.constant 0 : i32
    %dma_wait3A_23 = arith.constant 0 : i32
    %dma_wait3A_24 = tpu.memref_slice %arg2[%dma_wait3A_22, %dma_wait3A_23] : memref<10000x288xbf16, #tpu.memory_space<hbm>> -> memref<10000x288xbf16, #tpu.memory_space<hbm>>
    tpu.wait_indirect_dma semaphore(%arg12 : memref<!tpu.dma_semaphore, #tpu.memory_space<semaphore_mem>>) src(%dma_wait3A_24 : memref<10000x288xbf16, #tpu.memory_space<hbm>>) dst(%dma_wait3A_19 : memref<8x288xbf16, #tpu.memory_space<vmem>>)
    %run_scoped3A = arith.constant 0 : i32
    "tpu.region"() ({
      %run_scoped3A_28 = tpu.sem_alloc : memref<!tpu.dma_semaphore, #tpu.memory_space<semaphore_mem>>
      %dma_start3A_29 = arith.constant 0 : i32
      %dma_start3A_30 = arith.constant 0 : i32
      %dma_start3A_31 = tpu.memref_slice %arg11[%run_scoped3A, %dma_start3A_29, %dma_start3A_30] : memref<2x96x288xbf16, #tpu.memory_space<vmem>> -> memref<1x8x288xbf16, #tpu.memory_space<vmem>>
      %dma_start3A_32 = tpu.memref_squeeze %dma_start3A_31 : memref<1x8x288xbf16, #tpu.memory_space<vmem>> -> memref<8x288xbf16, #tpu.memory_space<vmem>>
      %dma_start3A_33 = arith.constant 4992 : i32
      %dma_start3A_34 = tpu.memref_slice %arg10[%dma_start3A_33] : memref<5000xi32, #tpu.memory_space<vmem>> -> memref<8xi32, #tpu.memory_space<vmem>>
      %dma_start3A_35 = arith.constant 0 : i32
      %dma_start3A_36 = arith.constant 0 : i32
      %dma_start3A_37 = tpu.memref_slice %arg8[%dma_start3A_35, %dma_start3A_36] : memref<10240x288xbf16, #tpu.memory_space<vmem_shared>> -> memref<10240x288xbf16, #tpu.memory_space<vmem_shared>>
      tpu.enqueue_indirect_dma source(%dma_start3A_32 : memref<8x288xbf16, #tpu.memory_space<vmem>>) target(%dma_start3A_37 : memref<10240x288xbf16, #tpu.memory_space<vmem_shared>>) offsets(%dma_start3A_34 : memref<8xi32, #tpu.memory_space<vmem>>) semaphore(%run_scoped3A_28 : memref<!tpu.dma_semaphore, #tpu.memory_space<semaphore_mem>>) {add = true}
      %dma_wait3A_38 = arith.constant 0 : i32
      %dma_wait3A_39 = arith.constant 0 : i32
      %dma_wait3A_40 = tpu.memref_slice %arg11[%run_scoped3A, %dma_wait3A_38, %dma_wait3A_39] : memref<2x96x288xbf16, #tpu.memory_space<vmem>> -> memref<1x8x288xbf16, #tpu.memory_space<vmem>>
      %dma_wait3A_41 = tpu.memref_squeeze %dma_wait3A_40 : memref<1x8x288xbf16, #tpu.memory_space<vmem>> -> memref<8x288xbf16, #tpu.memory_space<vmem>>
      %dma_wait3A_42 = arith.constant 4992 : i32
      %dma_wait3A_43 = tpu.memref_slice %arg10[%dma_wait3A_42] : memref<5000xi32, #tpu.memory_space<vmem>> -> memref<8xi32, #tpu.memory_space<vmem>>
      %dma_wait3A_44 = arith.constant 0 : i32
      %dma_wait3A_45 = arith.constant 0 : i32
      %dma_wait3A_46 = tpu.memref_slice %arg8[%dma_wait3A_44, %dma_wait3A_45] : memref<10240x288xbf16, #tpu.memory_space<vmem_shared>> -> memref<10240x288xbf16, #tpu.memory_space<vmem_shared>>
      tpu.wait_indirect_dma semaphore(%run_scoped3A_28 : memref<!tpu.dma_semaphore, #tpu.memory_space<semaphore_mem>>) src(%dma_wait3A_41 : memref<8x288xbf16, #tpu.memory_space<vmem>>) dst(%dma_wait3A_46 : memref<10240x288xbf16, #tpu.memory_space<vmem_shared>>)
      tpu.yield
    }) : () -> ()
    %barrier3A_25 = arith.constant 0 : index
    tpu.barrier barrier_id(%barrier3A_25)
    %run_scoped3A_26 = arith.constant 0 : i32
    "tpu.region"() ({
      %run_scoped3A_28 = tpu.sem_alloc : memref<!tpu.dma_semaphore, #tpu.memory_space<semaphore_mem>>
      %dma_start3A_29 = arith.constant 0 : i32
      %dma_start3A_30 = tpu.memref_slice %arg6[%arg0, %run_scoped3A_26, %mul3A_0, %dma_start3A_29] : memref<2x2x10240x128xbf16, #tpu.memory_space<hbm>> -> memref<1x1x640x128xbf16, #tpu.memory_space<hbm>>
      %dma_start3A_31 = tpu.memref_squeeze %dma_start3A_30 : memref<1x1x640x128xbf16, #tpu.memory_space<hbm>> -> memref<640x128xbf16, #tpu.memory_space<hbm>>
      %dma_start3A_32 = arith.constant 0 : i32
      %dma_start3A_33 = tpu.memref_slice %arg8[%mul3A_0, %dma_start3A_32] : memref<10240x288xbf16, #tpu.memory_space<vmem_shared>> -> memref<640x128xbf16, #tpu.memory_space<vmem_shared>>
      tpu.enqueue_dma source(%dma_start3A_33 : memref<640x128xbf16, #tpu.memory_space<vmem_shared>>) target(%dma_start3A_31 : memref<640x128xbf16, #tpu.memory_space<hbm>>) target_semaphore(%run_scoped3A_28 : memref<!tpu.dma_semaphore, #tpu.memory_space<semaphore_mem>>)
      %dma_wait3A_34 = arith.constant 0 : i32
      %dma_wait3A_35 = tpu.memref_slice %arg6[%arg0, %run_scoped3A_26, %mul3A_0, %dma_wait3A_34] : memref<2x2x10240x128xbf16, #tpu.memory_space<hbm>> -> memref<1x1x640x128xbf16, #tpu.memory_space<hbm>>
      %dma_wait3A_36 = tpu.memref_squeeze %dma_wait3A_35 : memref<1x1x640x128xbf16, #tpu.memory_space<hbm>> -> memref<640x128xbf16, #tpu.memory_space<hbm>>
      %dma_wait3A_37 = arith.constant 0 : i32
      %dma_wait3A_38 = tpu.memref_slice %arg8[%mul3A_0, %dma_wait3A_37] : memref<10240x288xbf16, #tpu.memory_space<vmem_shared>> -> memref<640x128xbf16, #tpu.memory_space<vmem_shared>>
      tpu.wait_dma2 semaphore(%run_scoped3A_28 : memref<!tpu.dma_semaphore, #tpu.memory_space<semaphore_mem>>) src(%dma_wait3A_38 : memref<640x128xbf16, #tpu.memory_space<vmem_shared>>) dst(%dma_wait3A_36 : memref<640x128xbf16, #tpu.memory_space<hbm>>)
      tpu.yield
    }) : () -> ()
    %run_scoped3A_27 = arith.constant 1 : i32
    "tpu.region"() ({
      %run_scoped3A_28 = tpu.sem_alloc : memref<!tpu.dma_semaphore, #tpu.memory_space<semaphore_mem>>
      %dma_start3A_29 = arith.constant 0 : i32
      %dma_start3A_30 = tpu.memref_slice %arg6[%arg0, %run_scoped3A_27, %mul3A_0, %dma_start3A_29] : memref<2x2x10240x128xbf16, #tpu.memory_space<hbm>> -> memref<1x1x640x128xbf16, #tpu.memory_space<hbm>>
      %dma_start3A_31 = tpu.memref_squeeze %dma_start3A_30 : memref<1x1x640x128xbf16, #tpu.memory_space<hbm>> -> memref<640x128xbf16, #tpu.memory_space<hbm>>
      %dma_start3A_32 = arith.constant 128 : i32
      %dma_start3A_33 = tpu.memref_slice %arg8[%mul3A_0, %dma_start3A_32] : memref<10240x288xbf16, #tpu.memory_space<vmem_shared>> -> memref<640x128xbf16, #tpu.memory_space<vmem_shared>>
      tpu.enqueue_dma source(%dma_start3A_33 : memref<640x128xbf16, #tpu.memory_space<vmem_shared>>) target(%dma_start3A_31 : memref<640x128xbf16, #tpu.memory_space<hbm>>) target_semaphore(%run_scoped3A_28 : memref<!tpu.dma_semaphore, #tpu.memory_space<semaphore_mem>>)
      %dma_wait3A_34 = arith.constant 0 : i32
      %dma_wait3A_35 = tpu.memref_slice %arg6[%arg0, %run_scoped3A_27, %mul3A_0, %dma_wait3A_34] : memref<2x2x10240x128xbf16, #tpu.memory_space<hbm>> -> memref<1x1x640x128xbf16, #tpu.memory_space<hbm>>
      %dma_wait3A_36 = tpu.memref_squeeze %dma_wait3A_35 : memref<1x1x640x128xbf16, #tpu.memory_space<hbm>> -> memref<640x128xbf16, #tpu.memory_space<hbm>>
      %dma_wait3A_37 = arith.constant 128 : i32
      %dma_wait3A_38 = tpu.memref_slice %arg8[%mul3A_0, %dma_wait3A_37] : memref<10240x288xbf16, #tpu.memory_space<vmem_shared>> -> memref<640x128xbf16, #tpu.memory_space<vmem_shared>>
      tpu.wait_dma2 semaphore(%run_scoped3A_28 : memref<!tpu.dma_semaphore, #tpu.memory_space<semaphore_mem>>) src(%dma_wait3A_38 : memref<640x128xbf16, #tpu.memory_space<vmem_shared>>) dst(%dma_wait3A_36 : memref<640x128xbf16, #tpu.memory_space<hbm>>)
      tpu.yield
    }) : () -> ()
    "tpu.region"() ({
      %run_scoped3A_28 = tpu.sem_alloc : memref<!tpu.dma_semaphore, #tpu.memory_space<semaphore_mem>>
      %dma_start3A_29 = arith.constant 0 : i32
      %dma_start3A_30 = tpu.memref_slice %arg7[%arg0, %mul3A_0, %dma_start3A_29] : memref<2x10240x32xbf16, #tpu.memory_space<hbm>> -> memref<1x640x32xbf16, #tpu.memory_space<hbm>>
      %dma_start3A_31 = tpu.memref_squeeze %dma_start3A_30 : memref<1x640x32xbf16, #tpu.memory_space<hbm>> -> memref<640x32xbf16, #tpu.memory_space<hbm>>
      %dma_start3A_32 = arith.constant 256 : i32
      %dma_start3A_33 = tpu.memref_slice %arg8[%mul3A_0, %dma_start3A_32] : memref<10240x288xbf16, #tpu.memory_space<vmem_shared>> -> memref<640x32xbf16, #tpu.memory_space<vmem_shared>>
      tpu.enqueue_dma source(%dma_start3A_33 : memref<640x32xbf16, #tpu.memory_space<vmem_shared>>) target(%dma_start3A_31 : memref<640x32xbf16, #tpu.memory_space<hbm>>) target_semaphore(%run_scoped3A_28 : memref<!tpu.dma_semaphore, #tpu.memory_space<semaphore_mem>>)
      %dma_wait3A_34 = arith.constant 0 : i32
      %dma_wait3A_35 = tpu.memref_slice %arg7[%arg0, %mul3A_0, %dma_wait3A_34] : memref<2x10240x32xbf16, #tpu.memory_space<hbm>> -> memref<1x640x32xbf16, #tpu.memory_space<hbm>>
      %dma_wait3A_36 = tpu.memref_squeeze %dma_wait3A_35 : memref<1x640x32xbf16, #tpu.memory_space<hbm>> -> memref<640x32xbf16, #tpu.memory_space<hbm>>
      %dma_wait3A_37 = arith.constant 256 : i32
      %dma_wait3A_38 = tpu.memref_slice %arg8[%mul3A_0, %dma_wait3A_37] : memref<10240x288xbf16, #tpu.memory_space<vmem_shared>> -> memref<640x32xbf16, #tpu.memory_space<vmem_shared>>
      tpu.wait_dma2 semaphore(%run_scoped3A_28 : memref<!tpu.dma_semaphore, #tpu.memory_space<semaphore_mem>>) src(%dma_wait3A_38 : memref<640x32xbf16, #tpu.memory_space<vmem_shared>>) dst(%dma_wait3A_36 : memref<640x32xbf16, #tpu.memory_space<hbm>>)
      tpu.yield
    }) : () -> ()
    return
  }
}

#map = affine_map<(d0, d1) -> (0, 0)>
#map1 = affine_map<(d0, d1) -> (0, 0, 0)>
module attributes {stable_mosaic.version = 14 : i64} {
  func.func @_k3_aggregate(%arg0: i32, %arg1: i32, %arg2: memref<10000x48xf32, #tpu.memory_space<hbm>>, %arg3: memref<2x16x5000xi32, #tpu.memory_space<hbm>>, %arg4: memref<2x16x5000xi32, #tpu.memory_space<hbm>>, %arg5: memref<640x48xf32, #tpu.memory_space<hbm>>, %arg6: memref<2x10240x48xf32, #tpu.memory_space<hbm>>, %arg7: memref<10240x48xf32, #tpu.memory_space<vmem_shared>>, %arg8: memref<5000xi32, #tpu.memory_space<vmem>>, %arg9: memref<5000xi32, #tpu.memory_space<vmem>>, %arg10: memref<2x96x48xf32, #tpu.memory_space<vmem>>, %arg11: memref<!tpu.dma_semaphore, #tpu.memory_space<semaphore_mem>>) attributes {dimension_semantics = [#tpu.dimension_semantics<core_parallel>, #tpu.dimension_semantics<subcore_parallel>], iteration_bounds = array<i64: 2, 16>, scalar_prefetch = 0 : i64, scratch_operands = 5 : i64, tpu.core_type = #tpu.core_type<sc_vector_subcore>, window_params = [{transform_indices = #map}, {transform_indices = #map1}, {transform_indices = #map1}, {transform_indices = #map}, {transform_indices = #map1}]} {
    %mul3A = arith.constant 640 : i32
    %mul3A_0 = arith.muli %arg1, %mul3A : i32
    "tpu.region"() ({
      %run_scoped3A_26 = tpu.sem_alloc : memref<!tpu.dma_semaphore, #tpu.memory_space<semaphore_mem>>
      %dma_start3A_27 = arith.constant 0 : i32
      %dma_start3A_28 = tpu.memref_slice %arg7[%mul3A_0, %dma_start3A_27] : memref<10240x48xf32, #tpu.memory_space<vmem_shared>> -> memref<640x48xf32, #tpu.memory_space<vmem_shared>>
      tpu.enqueue_dma source(%arg5 : memref<640x48xf32, #tpu.memory_space<hbm>>) target(%dma_start3A_28 : memref<640x48xf32, #tpu.memory_space<vmem_shared>>) target_semaphore(%run_scoped3A_26 : memref<!tpu.dma_semaphore, #tpu.memory_space<semaphore_mem>>)
      %dma_wait3A_29 = arith.constant 0 : i32
      %dma_wait3A_30 = tpu.memref_slice %arg7[%mul3A_0, %dma_wait3A_29] : memref<10240x48xf32, #tpu.memory_space<vmem_shared>> -> memref<640x48xf32, #tpu.memory_space<vmem_shared>>
      tpu.wait_dma2 semaphore(%run_scoped3A_26 : memref<!tpu.dma_semaphore, #tpu.memory_space<semaphore_mem>>) src(%arg5 : memref<640x48xf32, #tpu.memory_space<hbm>>) dst(%dma_wait3A_30 : memref<640x48xf32, #tpu.memory_space<vmem_shared>>)
      tpu.yield
    }) : () -> ()
    "tpu.region"() ({
      %run_scoped3A_26 = tpu.sem_alloc : memref<!tpu.dma_semaphore, #tpu.memory_space<semaphore_mem>>
      %dma_start3A_27 = arith.constant 0 : i32
      %dma_start3A_28 = tpu.memref_slice %arg3[%arg0, %arg1, %dma_start3A_27] : memref<2x16x5000xi32, #tpu.memory_space<hbm>> -> memref<1x1x5000xi32, #tpu.memory_space<hbm>>
      %dma_start3A_29 = tpu.memref_squeeze %dma_start3A_28 : memref<1x1x5000xi32, #tpu.memory_space<hbm>> -> memref<5000xi32, #tpu.memory_space<hbm>>
      %dma_start3A_30 = arith.constant 0 : i32
      %dma_start3A_31 = tpu.memref_slice %arg3[%arg0, %arg1, %dma_start3A_30] : memref<2x16x5000xi32, #tpu.memory_space<hbm>> -> memref<1x1x5000xi32, #tpu.memory_space<hbm>>
      %dma_start3A_32 = tpu.memref_squeeze %dma_start3A_31 : memref<1x1x5000xi32, #tpu.memory_space<hbm>> -> memref<5000xi32, #tpu.memory_space<hbm>>
      tpu.enqueue_dma source(%dma_start3A_32 : memref<5000xi32, #tpu.memory_space<hbm>>) target(%arg8 : memref<5000xi32, #tpu.memory_space<vmem>>) target_semaphore(%run_scoped3A_26 : memref<!tpu.dma_semaphore, #tpu.memory_space<semaphore_mem>>)
      %dma_wait3A_33 = arith.constant 0 : i32
      %dma_wait3A_34 = tpu.memref_slice %arg3[%arg0, %arg1, %dma_wait3A_33] : memref<2x16x5000xi32, #tpu.memory_space<hbm>> -> memref<1x1x5000xi32, #tpu.memory_space<hbm>>
      %dma_wait3A_35 = tpu.memref_squeeze %dma_wait3A_34 : memref<1x1x5000xi32, #tpu.memory_space<hbm>> -> memref<5000xi32, #tpu.memory_space<hbm>>
      %dma_wait3A_36 = arith.constant 0 : i32
      %dma_wait3A_37 = tpu.memref_slice %arg3[%arg0, %arg1, %dma_wait3A_36] : memref<2x16x5000xi32, #tpu.memory_space<hbm>> -> memref<1x1x5000xi32, #tpu.memory_space<hbm>>
      %dma_wait3A_38 = tpu.memref_squeeze %dma_wait3A_37 : memref<1x1x5000xi32, #tpu.memory_space<hbm>> -> memref<5000xi32, #tpu.memory_space<hbm>>
      tpu.wait_dma2 semaphore(%run_scoped3A_26 : memref<!tpu.dma_semaphore, #tpu.memory_space<semaphore_mem>>) src(%dma_wait3A_38 : memref<5000xi32, #tpu.memory_space<hbm>>) dst(%arg8 : memref<5000xi32, #tpu.memory_space<vmem>>)
      tpu.yield
    }) : () -> ()
    "tpu.region"() ({
      %run_scoped3A_26 = tpu.sem_alloc : memref<!tpu.dma_semaphore, #tpu.memory_space<semaphore_mem>>
      %dma_start3A_27 = arith.constant 0 : i32
      %dma_start3A_28 = tpu.memref_slice %arg4[%arg0, %arg1, %dma_start3A_27] : memref<2x16x5000xi32, #tpu.memory_space<hbm>> -> memref<1x1x5000xi32, #tpu.memory_space<hbm>>
      %dma_start3A_29 = tpu.memref_squeeze %dma_start3A_28 : memref<1x1x5000xi32, #tpu.memory_space<hbm>> -> memref<5000xi32, #tpu.memory_space<hbm>>
      %dma_start3A_30 = arith.constant 0 : i32
      %dma_start3A_31 = tpu.memref_slice %arg4[%arg0, %arg1, %dma_start3A_30] : memref<2x16x5000xi32, #tpu.memory_space<hbm>> -> memref<1x1x5000xi32, #tpu.memory_space<hbm>>
      %dma_start3A_32 = tpu.memref_squeeze %dma_start3A_31 : memref<1x1x5000xi32, #tpu.memory_space<hbm>> -> memref<5000xi32, #tpu.memory_space<hbm>>
      tpu.enqueue_dma source(%dma_start3A_32 : memref<5000xi32, #tpu.memory_space<hbm>>) target(%arg9 : memref<5000xi32, #tpu.memory_space<vmem>>) target_semaphore(%run_scoped3A_26 : memref<!tpu.dma_semaphore, #tpu.memory_space<semaphore_mem>>)
      %dma_wait3A_33 = arith.constant 0 : i32
      %dma_wait3A_34 = tpu.memref_slice %arg4[%arg0, %arg1, %dma_wait3A_33] : memref<2x16x5000xi32, #tpu.memory_space<hbm>> -> memref<1x1x5000xi32, #tpu.memory_space<hbm>>
      %dma_wait3A_35 = tpu.memref_squeeze %dma_wait3A_34 : memref<1x1x5000xi32, #tpu.memory_space<hbm>> -> memref<5000xi32, #tpu.memory_space<hbm>>
      %dma_wait3A_36 = arith.constant 0 : i32
      %dma_wait3A_37 = tpu.memref_slice %arg4[%arg0, %arg1, %dma_wait3A_36] : memref<2x16x5000xi32, #tpu.memory_space<hbm>> -> memref<1x1x5000xi32, #tpu.memory_space<hbm>>
      %dma_wait3A_38 = tpu.memref_squeeze %dma_wait3A_37 : memref<1x1x5000xi32, #tpu.memory_space<hbm>> -> memref<5000xi32, #tpu.memory_space<hbm>>
      tpu.wait_dma2 semaphore(%run_scoped3A_26 : memref<!tpu.dma_semaphore, #tpu.memory_space<semaphore_mem>>) src(%dma_wait3A_38 : memref<5000xi32, #tpu.memory_space<hbm>>) dst(%arg9 : memref<5000xi32, #tpu.memory_space<vmem>>)
      tpu.yield
    }) : () -> ()
    %barrier3A = arith.constant 0 : index
    tpu.barrier barrier_id(%barrier3A)
    %dma_start3A = arith.constant 0 : i32
    %dma_start3A_1 = arith.constant 0 : i32
    %dma_start3A_2 = arith.constant 0 : i32
    %dma_start3A_3 = tpu.memref_slice %arg10[%dma_start3A, %dma_start3A_1, %dma_start3A_2] : memref<2x96x48xf32, #tpu.memory_space<vmem>> -> memref<1x96x48xf32, #tpu.memory_space<vmem>>
    %dma_start3A_4 = tpu.memref_squeeze %dma_start3A_3 : memref<1x96x48xf32, #tpu.memory_space<vmem>> -> memref<96x48xf32, #tpu.memory_space<vmem>>
    %dma_start3A_5 = arith.constant 0 : i32
    %dma_start3A_6 = tpu.memref_slice %arg8[%dma_start3A_5] : memref<5000xi32, #tpu.memory_space<vmem>> -> memref<96xi32, #tpu.memory_space<vmem>>
    %dma_start3A_7 = arith.constant 0 : i32
    %dma_start3A_8 = arith.constant 0 : i32
    %dma_start3A_9 = tpu.memref_slice %arg2[%dma_start3A_7, %dma_start3A_8] : memref<10000x48xf32, #tpu.memory_space<hbm>> -> memref<10000x48xf32, #tpu.memory_space<hbm>>
    tpu.enqueue_indirect_dma source(%dma_start3A_9 : memref<10000x48xf32, #tpu.memory_space<hbm>>) target(%dma_start3A_4 : memref<96x48xf32, #tpu.memory_space<vmem>>) offsets(%dma_start3A_6 : memref<96xi32, #tpu.memory_space<vmem>>) semaphore(%arg11 : memref<!tpu.dma_semaphore, #tpu.memory_space<semaphore_mem>>)
    %scan3A = arith.constant 0 : i32
    %scan3A_10 = arith.constant 0 : i32
    %scan3A_11 = arith.constant 26 : i32
    %scan3A_12 = arith.addi %scan3A_10, %scan3A_11 : i32
    %scan3A_13 = arith.constant 1 : i32
    %scan3A_14 = scf.for %scan3A_26 = %scan3A_10 to %scan3A_12 step %scan3A_13 iter_args(%scan3A_27 = %scan3A) -> (i32)  : i32 {
      %mul3A_28 = arith.constant 2 : i32
      %mul3A_29 = arith.muli %mul3A_28, %scan3A_26 : i32
      %add3A = arith.constant 0 : i32
      %add3A_30 = arith.addi %mul3A_29, %add3A : i32
      %mul3A_31 = arith.constant 96 : i32
      %mul3A_32 = arith.muli %add3A_30, %mul3A_31 : i32
      %dma_wait3A_33 = arith.constant 0 : i32
      %dma_wait3A_34 = arith.constant 0 : i32
      %dma_wait3A_35 = arith.constant 0 : i32
      %dma_wait3A_36 = tpu.memref_slice %arg10[%dma_wait3A_33, %dma_wait3A_34, %dma_wait3A_35] : memref<2x96x48xf32, #tpu.memory_space<vmem>> -> memref<1x96x48xf32, #tpu.memory_space<vmem>>
      %dma_wait3A_37 = tpu.memref_squeeze %dma_wait3A_36 : memref<1x96x48xf32, #tpu.memory_space<vmem>> -> memref<96x48xf32, #tpu.memory_space<vmem>>
      %dma_wait3A_38 = tpu.memref_slice %arg8[%mul3A_32] : memref<5000xi32, #tpu.memory_space<vmem>> -> memref<96xi32, #tpu.memory_space<vmem>>
      %dma_wait3A_39 = arith.constant 0 : i32
      %dma_wait3A_40 = arith.constant 0 : i32
      %dma_wait3A_41 = tpu.memref_slice %arg2[%dma_wait3A_39, %dma_wait3A_40] : memref<10000x48xf32, #tpu.memory_space<hbm>> -> memref<10000x48xf32, #tpu.memory_space<hbm>>
      tpu.wait_indirect_dma semaphore(%arg11 : memref<!tpu.dma_semaphore, #tpu.memory_space<semaphore_mem>>) src(%dma_wait3A_41 : memref<10000x48xf32, #tpu.memory_space<hbm>>) dst(%dma_wait3A_37 : memref<96x48xf32, #tpu.memory_space<vmem>>)
      %add3A_42 = arith.constant 1 : i32
      %add3A_43 = arith.addi %add3A_30, %add3A_42 : i32
      %lt3A = arith.constant 52 : i32
      %lt3A_44 = arith.cmpi slt, %add3A_43, %lt3A : i32
      %convert_element_type3A = arith.extui %lt3A_44 : i1 to i32
      %cond3A = arith.constant 0 : i32
      %cond3A_45 = arith.cmpi ne, %convert_element_type3A, %cond3A : i32
      scf.if %cond3A_45 {
        %add3A_88 = arith.constant 1 : i32
        %add3A_89 = arith.addi %add3A_30, %add3A_88 : i32
        %mul3A_90 = arith.constant 96 : i32
        %mul3A_91 = arith.muli %add3A_89, %mul3A_90 : i32
        %dma_start3A_92 = arith.constant 1 : i32
        %dma_start3A_93 = arith.constant 0 : i32
        %dma_start3A_94 = arith.constant 0 : i32
        %dma_start3A_95 = tpu.memref_slice %arg10[%dma_start3A_92, %dma_start3A_93, %dma_start3A_94] : memref<2x96x48xf32, #tpu.memory_space<vmem>> -> memref<1x96x48xf32, #tpu.memory_space<vmem>>
        %dma_start3A_96 = tpu.memref_squeeze %dma_start3A_95 : memref<1x96x48xf32, #tpu.memory_space<vmem>> -> memref<96x48xf32, #tpu.memory_space<vmem>>
        %dma_start3A_97 = tpu.memref_slice %arg8[%mul3A_91] : memref<5000xi32, #tpu.memory_space<vmem>> -> memref<96xi32, #tpu.memory_space<vmem>>
        %dma_start3A_98 = arith.constant 0 : i32
        %dma_start3A_99 = arith.constant 0 : i32
        %dma_start3A_100 = tpu.memref_slice %arg2[%dma_start3A_98, %dma_start3A_99] : memref<10000x48xf32, #tpu.memory_space<hbm>> -> memref<10000x48xf32, #tpu.memory_space<hbm>>
        tpu.enqueue_indirect_dma source(%dma_start3A_100 : memref<10000x48xf32, #tpu.memory_space<hbm>>) target(%dma_start3A_96 : memref<96x48xf32, #tpu.memory_space<vmem>>) offsets(%dma_start3A_97 : memref<96xi32, #tpu.memory_space<vmem>>) semaphore(%arg11 : memref<!tpu.dma_semaphore, #tpu.memory_space<semaphore_mem>>)
      } else {
      }
      %add3A_46 = arith.constant 1 : i32
      %add3A_47 = arith.addi %add3A_30, %add3A_46 : i32
      %eq3A = arith.constant 52 : i32
      %eq3A_48 = arith.cmpi eq, %add3A_47, %eq3A : i32
      %convert_element_type3A_49 = arith.extui %eq3A_48 : i1 to i32
      %cond3A_50 = arith.constant 0 : i32
      %cond3A_51 = arith.cmpi ne, %convert_element_type3A_49, %cond3A_50 : i32
      scf.if %cond3A_51 {
        %dma_start3A_88 = arith.constant 1 : i32
        %dma_start3A_89 = arith.constant 0 : i32
        %dma_start3A_90 = arith.constant 0 : i32
        %dma_start3A_91 = tpu.memref_slice %arg10[%dma_start3A_88, %dma_start3A_89, %dma_start3A_90] : memref<2x96x48xf32, #tpu.memory_space<vmem>> -> memref<1x8x48xf32, #tpu.memory_space<vmem>>
        %dma_start3A_92 = tpu.memref_squeeze %dma_start3A_91 : memref<1x8x48xf32, #tpu.memory_space<vmem>> -> memref<8x48xf32, #tpu.memory_space<vmem>>
        %dma_start3A_93 = arith.constant 4992 : i32
        %dma_start3A_94 = tpu.memref_slice %arg8[%dma_start3A_93] : memref<5000xi32, #tpu.memory_space<vmem>> -> memref<8xi32, #tpu.memory_space<vmem>>
        %dma_start3A_95 = arith.constant 0 : i32
        %dma_start3A_96 = arith.constant 0 : i32
        %dma_start3A_97 = tpu.memref_slice %arg2[%dma_start3A_95, %dma_start3A_96] : memref<10000x48xf32, #tpu.memory_space<hbm>> -> memref<10000x48xf32, #tpu.memory_space<hbm>>
        tpu.enqueue_indirect_dma source(%dma_start3A_97 : memref<10000x48xf32, #tpu.memory_space<hbm>>) target(%dma_start3A_92 : memref<8x48xf32, #tpu.memory_space<vmem>>) offsets(%dma_start3A_94 : memref<8xi32, #tpu.memory_space<vmem>>) semaphore(%arg11 : memref<!tpu.dma_semaphore, #tpu.memory_space<semaphore_mem>>)
      } else {
      }
      %mul3A_52 = arith.constant 96 : i32
      %mul3A_53 = arith.muli %add3A_30, %mul3A_52 : i32
      %run_scoped3A_54 = arith.constant 0 : i32
      "tpu.region"() ({
        %run_scoped3A_88 = tpu.sem_alloc : memref<!tpu.dma_semaphore, #tpu.memory_space<semaphore_mem>>
        %dma_start3A_89 = arith.constant 0 : i32
        %dma_start3A_90 = arith.constant 0 : i32
        %dma_start3A_91 = tpu.memref_slice %arg10[%run_scoped3A_54, %dma_start3A_89, %dma_start3A_90] : memref<2x96x48xf32, #tpu.memory_space<vmem>> -> memref<1x96x48xf32, #tpu.memory_space<vmem>>
        %dma_start3A_92 = tpu.memref_squeeze %dma_start3A_91 : memref<1x96x48xf32, #tpu.memory_space<vmem>> -> memref<96x48xf32, #tpu.memory_space<vmem>>
        %dma_start3A_93 = tpu.memref_slice %arg9[%mul3A_53] : memref<5000xi32, #tpu.memory_space<vmem>> -> memref<96xi32, #tpu.memory_space<vmem>>
        %dma_start3A_94 = arith.constant 0 : i32
        %dma_start3A_95 = arith.constant 0 : i32
        %dma_start3A_96 = tpu.memref_slice %arg7[%dma_start3A_94, %dma_start3A_95] : memref<10240x48xf32, #tpu.memory_space<vmem_shared>> -> memref<10240x48xf32, #tpu.memory_space<vmem_shared>>
        tpu.enqueue_indirect_dma source(%dma_start3A_92 : memref<96x48xf32, #tpu.memory_space<vmem>>) target(%dma_start3A_96 : memref<10240x48xf32, #tpu.memory_space<vmem_shared>>) offsets(%dma_start3A_93 : memref<96xi32, #tpu.memory_space<vmem>>) semaphore(%run_scoped3A_88 : memref<!tpu.dma_semaphore, #tpu.memory_space<semaphore_mem>>) {add = true}
        %dma_wait3A_97 = arith.constant 0 : i32
        %dma_wait3A_98 = arith.constant 0 : i32
        %dma_wait3A_99 = tpu.memref_slice %arg10[%run_scoped3A_54, %dma_wait3A_97, %dma_wait3A_98] : memref<2x96x48xf32, #tpu.memory_space<vmem>> -> memref<1x96x48xf32, #tpu.memory_space<vmem>>
        %dma_wait3A_100 = tpu.memref_squeeze %dma_wait3A_99 : memref<1x96x48xf32, #tpu.memory_space<vmem>> -> memref<96x48xf32, #tpu.memory_space<vmem>>
        %dma_wait3A_101 = tpu.memref_slice %arg9[%mul3A_53] : memref<5000xi32, #tpu.memory_space<vmem>> -> memref<96xi32, #tpu.memory_space<vmem>>
        %dma_wait3A_102 = arith.constant 0 : i32
        %dma_wait3A_103 = arith.constant 0 : i32
        %dma_wait3A_104 = tpu.memref_slice %arg7[%dma_wait3A_102, %dma_wait3A_103] : memref<10240x48xf32, #tpu.memory_space<vmem_shared>> -> memref<10240x48xf32, #tpu.memory_space<vmem_shared>>
        tpu.wait_indirect_dma semaphore(%run_scoped3A_88 : memref<!tpu.dma_semaphore, #tpu.memory_space<semaphore_mem>>) src(%dma_wait3A_100 : memref<96x48xf32, #tpu.memory_space<vmem>>) dst(%dma_wait3A_104 : memref<10240x48xf32, #tpu.memory_space<vmem_shared>>)
        tpu.yield
      }) : () -> ()
      %mul3A_55 = arith.constant 2 : i32
      %mul3A_56 = arith.muli %mul3A_55, %scan3A_26 : i32
      %add3A_57 = arith.constant 1 : i32
      %add3A_58 = arith.addi %mul3A_56, %add3A_57 : i32
      %mul3A_59 = arith.constant 96 : i32
      %mul3A_60 = arith.muli %add3A_58, %mul3A_59 : i32
      %dma_wait3A_61 = arith.constant 1 : i32
      %dma_wait3A_62 = arith.constant 0 : i32
      %dma_wait3A_63 = arith.constant 0 : i32
      %dma_wait3A_64 = tpu.memref_slice %arg10[%dma_wait3A_61, %dma_wait3A_62, %dma_wait3A_63] : memref<2x96x48xf32, #tpu.memory_space<vmem>> -> memref<1x96x48xf32, #tpu.memory_space<vmem>>
      %dma_wait3A_65 = tpu.memref_squeeze %dma_wait3A_64 : memref<1x96x48xf32, #tpu.memory_space<vmem>> -> memref<96x48xf32, #tpu.memory_space<vmem>>
      %dma_wait3A_66 = tpu.memref_slice %arg8[%mul3A_60] : memref<5000xi32, #tpu.memory_space<vmem>> -> memref<96xi32, #tpu.memory_space<vmem>>
      %dma_wait3A_67 = arith.constant 0 : i32
      %dma_wait3A_68 = arith.constant 0 : i32
      %dma_wait3A_69 = tpu.memref_slice %arg2[%dma_wait3A_67, %dma_wait3A_68] : memref<10000x48xf32, #tpu.memory_space<hbm>> -> memref<10000x48xf32, #tpu.memory_space<hbm>>
      tpu.wait_indirect_dma semaphore(%arg11 : memref<!tpu.dma_semaphore, #tpu.memory_space<semaphore_mem>>) src(%dma_wait3A_69 : memref<10000x48xf32, #tpu.memory_space<hbm>>) dst(%dma_wait3A_65 : memref<96x48xf32, #tpu.memory_space<vmem>>)
      %add3A_70 = arith.constant 1 : i32
      %add3A_71 = arith.addi %add3A_58, %add3A_70 : i32
      %lt3A_72 = arith.constant 52 : i32
      %lt3A_73 = arith.cmpi slt, %add3A_71, %lt3A_72 : i32
      %convert_element_type3A_74 = arith.extui %lt3A_73 : i1 to i32
      %cond3A_75 = arith.constant 0 : i32
      %cond3A_76 = arith.cmpi ne, %convert_element_type3A_74, %cond3A_75 : i32
      scf.if %cond3A_76 {
        %add3A_88 = arith.constant 1 : i32
        %add3A_89 = arith.addi %add3A_58, %add3A_88 : i32
        %mul3A_90 = arith.constant 96 : i32
        %mul3A_91 = arith.muli %add3A_89, %mul3A_90 : i32
        %dma_start3A_92 = arith.constant 0 : i32
        %dma_start3A_93 = arith.constant 0 : i32
        %dma_start3A_94 = arith.constant 0 : i32
        %dma_start3A_95 = tpu.memref_slice %arg10[%dma_start3A_92, %dma_start3A_93, %dma_start3A_94] : memref<2x96x48xf32, #tpu.memory_space<vmem>> -> memref<1x96x48xf32, #tpu.memory_space<vmem>>
        %dma_start3A_96 = tpu.memref_squeeze %dma_start3A_95 : memref<1x96x48xf32, #tpu.memory_space<vmem>> -> memref<96x48xf32, #tpu.memory_space<vmem>>
        %dma_start3A_97 = tpu.memref_slice %arg8[%mul3A_91] : memref<5000xi32, #tpu.memory_space<vmem>> -> memref<96xi32, #tpu.memory_space<vmem>>
        %dma_start3A_98 = arith.constant 0 : i32
        %dma_start3A_99 = arith.constant 0 : i32
        %dma_start3A_100 = tpu.memref_slice %arg2[%dma_start3A_98, %dma_start3A_99] : memref<10000x48xf32, #tpu.memory_space<hbm>> -> memref<10000x48xf32, #tpu.memory_space<hbm>>
        tpu.enqueue_indirect_dma source(%dma_start3A_100 : memref<10000x48xf32, #tpu.memory_space<hbm>>) target(%dma_start3A_96 : memref<96x48xf32, #tpu.memory_space<vmem>>) offsets(%dma_start3A_97 : memref<96xi32, #tpu.memory_space<vmem>>) semaphore(%arg11 : memref<!tpu.dma_semaphore, #tpu.memory_space<semaphore_mem>>)
      } else {
      }
      %add3A_77 = arith.constant 1 : i32
      %add3A_78 = arith.addi %add3A_58, %add3A_77 : i32
      %eq3A_79 = arith.constant 52 : i32
      %eq3A_80 = arith.cmpi eq, %add3A_78, %eq3A_79 : i32
      %convert_element_type3A_81 = arith.extui %eq3A_80 : i1 to i32
      %cond3A_82 = arith.constant 0 : i32
      %cond3A_83 = arith.cmpi ne, %convert_element_type3A_81, %cond3A_82 : i32
      scf.if %cond3A_83 {
        %dma_start3A_88 = arith.constant 0 : i32
        %dma_start3A_89 = arith.constant 0 : i32
        %dma_start3A_90 = arith.constant 0 : i32
        %dma_start3A_91 = tpu.memref_slice %arg10[%dma_start3A_88, %dma_start3A_89, %dma_start3A_90] : memref<2x96x48xf32, #tpu.memory_space<vmem>> -> memref<1x8x48xf32, #tpu.memory_space<vmem>>
        %dma_start3A_92 = tpu.memref_squeeze %dma_start3A_91 : memref<1x8x48xf32, #tpu.memory_space<vmem>> -> memref<8x48xf32, #tpu.memory_space<vmem>>
        %dma_start3A_93 = arith.constant 4992 : i32
        %dma_start3A_94 = tpu.memref_slice %arg8[%dma_start3A_93] : memref<5000xi32, #tpu.memory_space<vmem>> -> memref<8xi32, #tpu.memory_space<vmem>>
        %dma_start3A_95 = arith.constant 0 : i32
        %dma_start3A_96 = arith.constant 0 : i32
        %dma_start3A_97 = tpu.memref_slice %arg2[%dma_start3A_95, %dma_start3A_96] : memref<10000x48xf32, #tpu.memory_space<hbm>> -> memref<10000x48xf32, #tpu.memory_space<hbm>>
        tpu.enqueue_indirect_dma source(%dma_start3A_97 : memref<10000x48xf32, #tpu.memory_space<hbm>>) target(%dma_start3A_92 : memref<8x48xf32, #tpu.memory_space<vmem>>) offsets(%dma_start3A_94 : memref<8xi32, #tpu.memory_space<vmem>>) semaphore(%arg11 : memref<!tpu.dma_semaphore, #tpu.memory_space<semaphore_mem>>)
      } else {
      }
      %mul3A_84 = arith.constant 96 : i32
      %mul3A_85 = arith.muli %add3A_58, %mul3A_84 : i32
      %run_scoped3A_86 = arith.constant 1 : i32
      "tpu.region"() ({
        %run_scoped3A_88 = tpu.sem_alloc : memref<!tpu.dma_semaphore, #tpu.memory_space<semaphore_mem>>
        %dma_start3A_89 = arith.constant 0 : i32
        %dma_start3A_90 = arith.constant 0 : i32
        %dma_start3A_91 = tpu.memref_slice %arg10[%run_scoped3A_86, %dma_start3A_89, %dma_start3A_90] : memref<2x96x48xf32, #tpu.memory_space<vmem>> -> memref<1x96x48xf32, #tpu.memory_space<vmem>>
        %dma_start3A_92 = tpu.memref_squeeze %dma_start3A_91 : memref<1x96x48xf32, #tpu.memory_space<vmem>> -> memref<96x48xf32, #tpu.memory_space<vmem>>
        %dma_start3A_93 = tpu.memref_slice %arg9[%mul3A_85] : memref<5000xi32, #tpu.memory_space<vmem>> -> memref<96xi32, #tpu.memory_space<vmem>>
        %dma_start3A_94 = arith.constant 0 : i32
        %dma_start3A_95 = arith.constant 0 : i32
        %dma_start3A_96 = tpu.memref_slice %arg7[%dma_start3A_94, %dma_start3A_95] : memref<10240x48xf32, #tpu.memory_space<vmem_shared>> -> memref<10240x48xf32, #tpu.memory_space<vmem_shared>>
        tpu.enqueue_indirect_dma source(%dma_start3A_92 : memref<96x48xf32, #tpu.memory_space<vmem>>) target(%dma_start3A_96 : memref<10240x48xf32, #tpu.memory_space<vmem_shared>>) offsets(%dma_start3A_93 : memref<96xi32, #tpu.memory_space<vmem>>) semaphore(%run_scoped3A_88 : memref<!tpu.dma_semaphore, #tpu.memory_space<semaphore_mem>>) {add = true}
        %dma_wait3A_97 = arith.constant 0 : i32
        %dma_wait3A_98 = arith.constant 0 : i32
        %dma_wait3A_99 = tpu.memref_slice %arg10[%run_scoped3A_86, %dma_wait3A_97, %dma_wait3A_98] : memref<2x96x48xf32, #tpu.memory_space<vmem>> -> memref<1x96x48xf32, #tpu.memory_space<vmem>>
        %dma_wait3A_100 = tpu.memref_squeeze %dma_wait3A_99 : memref<1x96x48xf32, #tpu.memory_space<vmem>> -> memref<96x48xf32, #tpu.memory_space<vmem>>
        %dma_wait3A_101 = tpu.memref_slice %arg9[%mul3A_85] : memref<5000xi32, #tpu.memory_space<vmem>> -> memref<96xi32, #tpu.memory_space<vmem>>
        %dma_wait3A_102 = arith.constant 0 : i32
        %dma_wait3A_103 = arith.constant 0 : i32
        %dma_wait3A_104 = tpu.memref_slice %arg7[%dma_wait3A_102, %dma_wait3A_103] : memref<10240x48xf32, #tpu.memory_space<vmem_shared>> -> memref<10240x48xf32, #tpu.memory_space<vmem_shared>>
        tpu.wait_indirect_dma semaphore(%run_scoped3A_88 : memref<!tpu.dma_semaphore, #tpu.memory_space<semaphore_mem>>) src(%dma_wait3A_100 : memref<96x48xf32, #tpu.memory_space<vmem>>) dst(%dma_wait3A_104 : memref<10240x48xf32, #tpu.memory_space<vmem_shared>>)
        tpu.yield
      }) : () -> ()
      %scan3A_87 = arith.constant 0 : i32
      scf.yield %scan3A_87 : i32
    }
    %scan3A_15 = arith.constant 26 : i32
    %dma_wait3A = arith.constant 0 : i32
    %dma_wait3A_16 = arith.constant 0 : i32
    %dma_wait3A_17 = arith.constant 0 : i32
    %dma_wait3A_18 = tpu.memref_slice %arg10[%dma_wait3A, %dma_wait3A_16, %dma_wait3A_17] : memref<2x96x48xf32, #tpu.memory_space<vmem>> -> memref<1x8x48xf32, #tpu.memory_space<vmem>>
    %dma_wait3A_19 = tpu.memref_squeeze %dma_wait3A_18 : memref<1x8x48xf32, #tpu.memory_space<vmem>> -> memref<8x48xf32, #tpu.memory_space<vmem>>
    %dma_wait3A_20 = arith.constant 4992 : i32
    %dma_wait3A_21 = tpu.memref_slice %arg8[%dma_wait3A_20] : memref<5000xi32, #tpu.memory_space<vmem>> -> memref<8xi32, #tpu.memory_space<vmem>>
    %dma_wait3A_22 = arith.constant 0 : i32
    %dma_wait3A_23 = arith.constant 0 : i32
    %dma_wait3A_24 = tpu.memref_slice %arg2[%dma_wait3A_22, %dma_wait3A_23] : memref<10000x48xf32, #tpu.memory_space<hbm>> -> memref<10000x48xf32, #tpu.memory_space<hbm>>
    tpu.wait_indirect_dma semaphore(%arg11 : memref<!tpu.dma_semaphore, #tpu.memory_space<semaphore_mem>>) src(%dma_wait3A_24 : memref<10000x48xf32, #tpu.memory_space<hbm>>) dst(%dma_wait3A_19 : memref<8x48xf32, #tpu.memory_space<vmem>>)
    %run_scoped3A = arith.constant 0 : i32
    "tpu.region"() ({
      %run_scoped3A_26 = tpu.sem_alloc : memref<!tpu.dma_semaphore, #tpu.memory_space<semaphore_mem>>
      %dma_start3A_27 = arith.constant 0 : i32
      %dma_start3A_28 = arith.constant 0 : i32
      %dma_start3A_29 = tpu.memref_slice %arg10[%run_scoped3A, %dma_start3A_27, %dma_start3A_28] : memref<2x96x48xf32, #tpu.memory_space<vmem>> -> memref<1x8x48xf32, #tpu.memory_space<vmem>>
      %dma_start3A_30 = tpu.memref_squeeze %dma_start3A_29 : memref<1x8x48xf32, #tpu.memory_space<vmem>> -> memref<8x48xf32, #tpu.memory_space<vmem>>
      %dma_start3A_31 = arith.constant 4992 : i32
      %dma_start3A_32 = tpu.memref_slice %arg9[%dma_start3A_31] : memref<5000xi32, #tpu.memory_space<vmem>> -> memref<8xi32, #tpu.memory_space<vmem>>
      %dma_start3A_33 = arith.constant 0 : i32
      %dma_start3A_34 = arith.constant 0 : i32
      %dma_start3A_35 = tpu.memref_slice %arg7[%dma_start3A_33, %dma_start3A_34] : memref<10240x48xf32, #tpu.memory_space<vmem_shared>> -> memref<10240x48xf32, #tpu.memory_space<vmem_shared>>
      tpu.enqueue_indirect_dma source(%dma_start3A_30 : memref<8x48xf32, #tpu.memory_space<vmem>>) target(%dma_start3A_35 : memref<10240x48xf32, #tpu.memory_space<vmem_shared>>) offsets(%dma_start3A_32 : memref<8xi32, #tpu.memory_space<vmem>>) semaphore(%run_scoped3A_26 : memref<!tpu.dma_semaphore, #tpu.memory_space<semaphore_mem>>) {add = true}
      %dma_wait3A_36 = arith.constant 0 : i32
      %dma_wait3A_37 = arith.constant 0 : i32
      %dma_wait3A_38 = tpu.memref_slice %arg10[%run_scoped3A, %dma_wait3A_36, %dma_wait3A_37] : memref<2x96x48xf32, #tpu.memory_space<vmem>> -> memref<1x8x48xf32, #tpu.memory_space<vmem>>
      %dma_wait3A_39 = tpu.memref_squeeze %dma_wait3A_38 : memref<1x8x48xf32, #tpu.memory_space<vmem>> -> memref<8x48xf32, #tpu.memory_space<vmem>>
      %dma_wait3A_40 = arith.constant 4992 : i32
      %dma_wait3A_41 = tpu.memref_slice %arg9[%dma_wait3A_40] : memref<5000xi32, #tpu.memory_space<vmem>> -> memref<8xi32, #tpu.memory_space<vmem>>
      %dma_wait3A_42 = arith.constant 0 : i32
      %dma_wait3A_43 = arith.constant 0 : i32
      %dma_wait3A_44 = tpu.memref_slice %arg7[%dma_wait3A_42, %dma_wait3A_43] : memref<10240x48xf32, #tpu.memory_space<vmem_shared>> -> memref<10240x48xf32, #tpu.memory_space<vmem_shared>>
      tpu.wait_indirect_dma semaphore(%run_scoped3A_26 : memref<!tpu.dma_semaphore, #tpu.memory_space<semaphore_mem>>) src(%dma_wait3A_39 : memref<8x48xf32, #tpu.memory_space<vmem>>) dst(%dma_wait3A_44 : memref<10240x48xf32, #tpu.memory_space<vmem_shared>>)
      tpu.yield
    }) : () -> ()
    %barrier3A_25 = arith.constant 0 : index
    tpu.barrier barrier_id(%barrier3A_25)
    "tpu.region"() ({
      %run_scoped3A_26 = tpu.sem_alloc : memref<!tpu.dma_semaphore, #tpu.memory_space<semaphore_mem>>
      %dma_start3A_27 = arith.constant 0 : i32
      %dma_start3A_28 = tpu.memref_slice %arg6[%arg0, %mul3A_0, %dma_start3A_27] : memref<2x10240x48xf32, #tpu.memory_space<hbm>> -> memref<1x640x48xf32, #tpu.memory_space<hbm>>
      %dma_start3A_29 = tpu.memref_squeeze %dma_start3A_28 : memref<1x640x48xf32, #tpu.memory_space<hbm>> -> memref<640x48xf32, #tpu.memory_space<hbm>>
      %dma_start3A_30 = arith.constant 0 : i32
      %dma_start3A_31 = tpu.memref_slice %arg7[%mul3A_0, %dma_start3A_30] : memref<10240x48xf32, #tpu.memory_space<vmem_shared>> -> memref<640x48xf32, #tpu.memory_space<vmem_shared>>
      tpu.enqueue_dma source(%dma_start3A_31 : memref<640x48xf32, #tpu.memory_space<vmem_shared>>) target(%dma_start3A_29 : memref<640x48xf32, #tpu.memory_space<hbm>>) target_semaphore(%run_scoped3A_26 : memref<!tpu.dma_semaphore, #tpu.memory_space<semaphore_mem>>)
      %dma_wait3A_32 = arith.constant 0 : i32
      %dma_wait3A_33 = tpu.memref_slice %arg6[%arg0, %mul3A_0, %dma_wait3A_32] : memref<2x10240x48xf32, #tpu.memory_space<hbm>> -> memref<1x640x48xf32, #tpu.memory_space<hbm>>
      %dma_wait3A_34 = tpu.memref_squeeze %dma_wait3A_33 : memref<1x640x48xf32, #tpu.memory_space<hbm>> -> memref<640x48xf32, #tpu.memory_space<hbm>>
      %dma_wait3A_35 = arith.constant 0 : i32
      %dma_wait3A_36 = tpu.memref_slice %arg7[%mul3A_0, %dma_wait3A_35] : memref<10240x48xf32, #tpu.memory_space<vmem_shared>> -> memref<640x48xf32, #tpu.memory_space<vmem_shared>>
      tpu.wait_dma2 semaphore(%run_scoped3A_26 : memref<!tpu.dma_semaphore, #tpu.memory_space<semaphore_mem>>) src(%dma_wait3A_36 : memref<640x48xf32, #tpu.memory_space<vmem_shared>>) dst(%dma_wait3A_34 : memref<640x48xf32, #tpu.memory_space<hbm>>)
      tpu.yield
    }) : () -> ()
    return
  }
}

module attributes {stable_mosaic.version = 14 : i64} {
  func.func @_k2_body(%arg0: i32, %arg1: memref<2x2x2000x128xbf16, #tpu.memory_space<vmem>>, %arg2: memref<2x2000x32xbf16, #tpu.memory_space<vmem>>, %arg3: memref<2000x256xf32, #tpu.memory_space<vmem>>, %arg4: memref<256x512xf32, #tpu.memory_space<vmem>>, %arg5: memref<256x512xf32, #tpu.memory_space<vmem>>, %arg6: memref<1x512xf32, #tpu.memory_space<vmem>>, %arg7: memref<512x512xf32, #tpu.memory_space<vmem>>, %arg8: memref<512x512xf32, #tpu.memory_space<vmem>>, %arg9: memref<1x512xf32, #tpu.memory_space<vmem>>, %arg10: memref<512x48xf32, #tpu.memory_space<vmem>>, %arg11: memref<1x48xf32, #tpu.memory_space<vmem>>, %arg12: memref<2000x48xf32, #tpu.memory_space<vmem>>, %arg13: memref<2000x48xf32, #tpu.memory_space<vmem>>, %arg14: memref<2000x48xf32, #tpu.memory_space<vmem>>, %arg15: memref<512x48xf32, #tpu.memory_space<vmem>>, %arg16: memref<512x48xf32, #tpu.memory_space<vmem>>, %arg17: memref<1x48xf32, #tpu.memory_space<vmem>>) attributes {dimension_semantics = [#tpu.dimension_semantics<arbitrary>], iteration_bounds = array<i64: 5>, scalar_prefetch = 0 : i64, scratch_operands = 3 : i64, tpu.core_type = #tpu.core_type<tc>, window_params = [{transform_indices = @transform_0, window_bounds = array<i64: 2, 2, 2000, 128>}, {transform_indices = @transform_1, window_bounds = array<i64: 2, 2000, 32>}, {transform_indices = @transform_2, window_bounds = array<i64: 2000, 256>}, {pipeline_mode = #tpu.pipeline_mode<synchronous>, transform_indices = @transform_3, window_bounds = array<i64: 256, 512>}, {pipeline_mode = #tpu.pipeline_mode<synchronous>, transform_indices = @transform_4, window_bounds = array<i64: 256, 512>}, {pipeline_mode = #tpu.pipeline_mode<synchronous>, transform_indices = @transform_5, window_bounds = array<i64: 1, 512>}, {pipeline_mode = #tpu.pipeline_mode<synchronous>, transform_indices = @transform_6, window_bounds = array<i64: 512, 512>}, {pipeline_mode = #tpu.pipeline_mode<synchronous>, transform_indices = @transform_7, window_bounds = array<i64: 512, 512>}, {pipeline_mode = #tpu.pipeline_mode<synchronous>, transform_indices = @transform_8, window_bounds = array<i64: 1, 512>}, {pipeline_mode = #tpu.pipeline_mode<synchronous>, transform_indices = @transform_9, window_bounds = array<i64: 512, 48>}, {pipeline_mode = #tpu.pipeline_mode<synchronous>, transform_indices = @transform_10, window_bounds = array<i64: 1, 48>}, {transform_indices = @transform_11, window_bounds = array<i64: 2000, 48>}, {transform_indices = @transform_12, window_bounds = array<i64: 2000, 48>}, {transform_indices = @transform_13, window_bounds = array<i64: 2000, 48>}]} {
    %eq3A = arith.constant 0 : i32
    %eq3A_0 = arith.cmpi eq, %arg0, %eq3A : i32
    %convert_element_type3A = arith.extui %eq3A_0 : i1 to i32
    %cond3A = arith.constant 0 : i32
    %cond3A_1 = arith.cmpi ne, %convert_element_type3A, %cond3A : i32
    scf.if %cond3A_1 {
      %get3A_101 = arith.constant 0 : index
      %get3A_102 = arith.constant 0 : index
      %get3A_103 = vector.load %arg7[%get3A_101, %get3A_102] : memref<512x512xf32, #tpu.memory_space<vmem>>, vector<512x512xf32>
      %get3A_104 = arith.constant 0 : index
      %get3A_105 = arith.constant 0 : index
      %get3A_106 = vector.load %arg10[%get3A_104, %get3A_105] : memref<512x48xf32, #tpu.memory_space<vmem>>, vector<512x48xf32>
      %dot_general3A_107 = arith.constant dense<0.000000e+00> : vector<512x48xf32>
      %dot_general3A_108 = tpu.matmul %get3A_103, %get3A_106, %dot_general3A_107 {dimension_numbers = #tpu.dot_dimension_numbers<[1], [0], [0], [1], [0, 0, 1, 1], [], []>, transpose_lhs_hint = false} : vector<512x512xf32>, vector<512x48xf32>, vector<512x48xf32> -> vector<512x48xf32>
      %swap3A_109 = arith.constant 0 : index
      %swap3A_110 = arith.constant 0 : index
      %swap3A_111 = vector.load %arg15[%swap3A_109, %swap3A_110] : memref<512x48xf32, #tpu.memory_space<vmem>>, vector<512x48xf32>
      tpu.vector_store %arg15[%swap3A_109, %swap3A_110], %dot_general3A_108 {strides = array<i32>} : memref<512x48xf32, #tpu.memory_space<vmem>>, vector<512x48xf32>,
      %get3A_112 = arith.constant 0 : index
      %get3A_113 = arith.constant 0 : index
      %get3A_114 = vector.load %arg8[%get3A_112, %get3A_113] : memref<512x512xf32, #tpu.memory_space<vmem>>, vector<512x512xf32>
      %get3A_115 = arith.constant 0 : index
      %get3A_116 = arith.constant 0 : index
      %get3A_117 = vector.load %arg10[%get3A_115, %get3A_116] : memref<512x48xf32, #tpu.memory_space<vmem>>, vector<512x48xf32>
      %dot_general3A_118 = arith.constant dense<0.000000e+00> : vector<512x48xf32>
      %dot_general3A_119 = tpu.matmul %get3A_114, %get3A_117, %dot_general3A_118 {dimension_numbers = #tpu.dot_dimension_numbers<[1], [0], [0], [1], [0, 0, 1, 1], [], []>, transpose_lhs_hint = false} : vector<512x512xf32>, vector<512x48xf32>, vector<512x48xf32> -> vector<512x48xf32>
      %swap3A_120 = arith.constant 0 : index
      %swap3A_121 = arith.constant 0 : index
      %swap3A_122 = vector.load %arg16[%swap3A_120, %swap3A_121] : memref<512x48xf32, #tpu.memory_space<vmem>>, vector<512x48xf32>
      tpu.vector_store %arg16[%swap3A_120, %swap3A_121], %dot_general3A_119 {strides = array<i32>} : memref<512x48xf32, #tpu.memory_space<vmem>>, vector<512x48xf32>,
      %get3A_123 = arith.constant 0 : index
      %get3A_124 = arith.constant 0 : index
      %get3A_125 = vector.load %arg9[%get3A_123, %get3A_124] : memref<1x512xf32, #tpu.memory_space<vmem>>, vector<1x512xf32>
      %get3A_126 = arith.constant 0 : index
      %get3A_127 = arith.constant 0 : index
      %get3A_128 = vector.load %arg10[%get3A_126, %get3A_127] : memref<512x48xf32, #tpu.memory_space<vmem>>, vector<512x48xf32>
      %dot_general3A_129 = arith.constant dense<0.000000e+00> : vector<1x48xf32>
      %dot_general3A_130 = tpu.matmul %get3A_125, %get3A_128, %dot_general3A_129 {dimension_numbers = #tpu.dot_dimension_numbers<[1], [0], [0], [1], [0, 0, 1, 1], [], []>, transpose_lhs_hint = false} : vector<1x512xf32>, vector<512x48xf32>, vector<1x48xf32> -> vector<1x48xf32>
      %get3A_131 = arith.constant 0 : index
      %get3A_132 = arith.constant 0 : index
      %get3A_133 = vector.load %arg11[%get3A_131, %get3A_132] : memref<1x48xf32, #tpu.memory_space<vmem>>, vector<1x48xf32>
      %add3A_134 = arith.addf %dot_general3A_130, %get3A_133 : vector<1x48xf32>
      %swap3A_135 = arith.constant 0 : index
      %swap3A_136 = arith.constant 0 : index
      %swap3A_137 = vector.load %arg17[%swap3A_135, %swap3A_136] : memref<1x48xf32, #tpu.memory_space<vmem>>, vector<1x48xf32>
      tpu.vector_store %arg17[%swap3A_135, %swap3A_136], %add3A_134 {strides = array<i32>} : memref<1x48xf32, #tpu.memory_space<vmem>>, vector<1x48xf32>,
    } else {
    }
    %get3A = arith.constant 0 : index
    %get3A_2 = arith.constant 0 : index
    %get3A_3 = arith.constant 0 : index
    %get3A_4 = vector.load %arg2[%get3A, %get3A_2, %get3A_3] : memref<2x2000x32xbf16, #tpu.memory_space<vmem>>, vector<1x2000x32xbf16>
    %get3A_5 = vector.shape_cast %get3A_4 : vector<1x2000x32xbf16> to vector<2000x32xbf16>
    %convert_element_type3A_6 = arith.extf %get3A_5 : vector<2000x32xbf16> to vector<2000x32xf32>
    %get3A_7 = arith.constant 1 : index
    %get3A_8 = arith.constant 0 : index
    %get3A_9 = arith.constant 0 : index
    %get3A_10 = vector.load %arg2[%get3A_7, %get3A_8, %get3A_9] : memref<2x2000x32xbf16, #tpu.memory_space<vmem>>, vector<1x2000x32xbf16>
    %get3A_11 = vector.shape_cast %get3A_10 : vector<1x2000x32xbf16> to vector<2000x32xbf16>
    %convert_element_type3A_12 = arith.extf %get3A_11 : vector<2000x32xbf16> to vector<2000x32xf32>
    %add3A = arith.addf %convert_element_type3A_6, %convert_element_type3A_12 : vector<2000x32xf32>
    %slice3A = vector.extract_strided_slice %add3A {offsets = [0, 0], sizes = [2000, 1], strides = [1, 1]} : vector<2000x32xf32> to vector<2000x1xf32>
    %max3A = arith.constant 1.000000e+00 : f32
    %max3A_13 = vector.broadcast %max3A : f32 to vector<2000x1xf32>
    %max3A_14 = arith.maximumf %slice3A, %max3A_13 : vector<2000x1xf32>
    %div3A = arith.constant 1.000000e+00 : f32
    %div3A_15 = vector.broadcast %div3A : f32 to vector<2000x1xf32>
    %div3A_16 = arith.divf %div3A_15, %max3A_14 : vector<2000x1xf32>
    %broadcast_in_dim3A = vector.shape_cast %div3A_16 : vector<2000x1xf32> to vector<2000x1xf32>
    %broadcast_in_dim3A_17 = vector.broadcast %broadcast_in_dim3A : vector<2000x1xf32> to vector<2000x48xf32>
    %swap3A = arith.constant 0 : index
    %swap3A_18 = arith.constant 0 : index
    %swap3A_19 = vector.load %arg14[%swap3A, %swap3A_18] : memref<2000x48xf32, #tpu.memory_space<vmem>>, vector<2000x48xf32>
    tpu.vector_store %arg14[%swap3A, %swap3A_18], %broadcast_in_dim3A_17 {strides = array<i32>} : memref<2000x48xf32, #tpu.memory_space<vmem>>, vector<2000x48xf32>,
    %get3A_20 = arith.constant 0 : index
    %get3A_21 = arith.constant 0 : index
    %get3A_22 = arith.constant 0 : index
    %get3A_23 = arith.constant 0 : index
    %get3A_24 = vector.load %arg1[%get3A_20, %get3A_21, %get3A_22, %get3A_23] : memref<2x2x2000x128xbf16, #tpu.memory_space<vmem>>, vector<1x1x2000x128xbf16>
    %get3A_25 = vector.shape_cast %get3A_24 : vector<1x1x2000x128xbf16> to vector<2000x128xbf16>
    %convert_element_type3A_26 = arith.extf %get3A_25 : vector<2000x128xbf16> to vector<2000x128xf32>
    %get3A_27 = arith.constant 1 : index
    %get3A_28 = arith.constant 0 : index
    %get3A_29 = arith.constant 0 : index
    %get3A_30 = arith.constant 0 : index
    %get3A_31 = vector.load %arg1[%get3A_27, %get3A_28, %get3A_29, %get3A_30] : memref<2x2x2000x128xbf16, #tpu.memory_space<vmem>>, vector<1x1x2000x128xbf16>
    %get3A_32 = vector.shape_cast %get3A_31 : vector<1x1x2000x128xbf16> to vector<2000x128xbf16>
    %convert_element_type3A_33 = arith.extf %get3A_32 : vector<2000x128xbf16> to vector<2000x128xf32>
    %add3A_34 = arith.addf %convert_element_type3A_26, %convert_element_type3A_33 : vector<2000x128xf32>
    %mul3A = vector.broadcast %div3A_16 : vector<2000x1xf32> to vector<2000x128xf32>
    %mul3A_35 = arith.mulf %add3A_34, %mul3A : vector<2000x128xf32>
    %get3A_36 = arith.constant 0 : index
    %get3A_37 = arith.constant 1 : index
    %get3A_38 = arith.constant 0 : index
    %get3A_39 = arith.constant 0 : index
    %get3A_40 = vector.load %arg1[%get3A_36, %get3A_37, %get3A_38, %get3A_39] : memref<2x2x2000x128xbf16, #tpu.memory_space<vmem>>, vector<1x1x2000x128xbf16>
    %get3A_41 = vector.shape_cast %get3A_40 : vector<1x1x2000x128xbf16> to vector<2000x128xbf16>
    %convert_element_type3A_42 = arith.extf %get3A_41 : vector<2000x128xbf16> to vector<2000x128xf32>
    %get3A_43 = arith.constant 1 : index
    %get3A_44 = arith.constant 1 : index
    %get3A_45 = arith.constant 0 : index
    %get3A_46 = arith.constant 0 : index
    %get3A_47 = vector.load %arg1[%get3A_43, %get3A_44, %get3A_45, %get3A_46] : memref<2x2x2000x128xbf16, #tpu.memory_space<vmem>>, vector<1x1x2000x128xbf16>
    %get3A_48 = vector.shape_cast %get3A_47 : vector<1x1x2000x128xbf16> to vector<2000x128xbf16>
    %convert_element_type3A_49 = arith.extf %get3A_48 : vector<2000x128xbf16> to vector<2000x128xf32>
    %add3A_50 = arith.addf %convert_element_type3A_42, %convert_element_type3A_49 : vector<2000x128xf32>
    %mul3A_51 = vector.broadcast %div3A_16 : vector<2000x1xf32> to vector<2000x128xf32>
    %mul3A_52 = arith.mulf %add3A_50, %mul3A_51 : vector<2000x128xf32>
    %get3A_53 = arith.constant 0 : index
    %get3A_54 = arith.constant 0 : index
    %get3A_55 = vector.load %arg4[%get3A_53, %get3A_54] : memref<256x512xf32, #tpu.memory_space<vmem>>, vector<128x512xf32>
    %dot_general3A = arith.constant dense<0.000000e+00> : vector<2000x512xf32>
    %dot_general3A_56 = tpu.matmul %mul3A_35, %get3A_55, %dot_general3A {dimension_numbers = #tpu.dot_dimension_numbers<[1], [0], [0], [1], [0, 0, 1, 1], [], []>, transpose_lhs_hint = false} : vector<2000x128xf32>, vector<128x512xf32>, vector<2000x512xf32> -> vector<2000x512xf32>
    %get3A_57 = arith.constant 128 : index
    %get3A_58 = arith.constant 0 : index
    %get3A_59 = vector.load %arg4[%get3A_57, %get3A_58] : memref<256x512xf32, #tpu.memory_space<vmem>>, vector<128x512xf32>
    %dot_general3A_60 = arith.constant dense<0.000000e+00> : vector<2000x512xf32>
    %dot_general3A_61 = tpu.matmul %mul3A_52, %get3A_59, %dot_general3A_60 {dimension_numbers = #tpu.dot_dimension_numbers<[1], [0], [0], [1], [0, 0, 1, 1], [], []>, transpose_lhs_hint = false} : vector<2000x128xf32>, vector<128x512xf32>, vector<2000x512xf32> -> vector<2000x512xf32>
    %add3A_62 = arith.addf %dot_general3A_56, %dot_general3A_61 : vector<2000x512xf32>
    %get3A_63 = arith.constant 0 : index
    %get3A_64 = arith.constant 0 : index
    %get3A_65 = vector.load %arg3[%get3A_63, %get3A_64] : memref<2000x256xf32, #tpu.memory_space<vmem>>, vector<2000x256xf32>
    %get3A_66 = arith.constant 0 : index
    %get3A_67 = arith.constant 0 : index
    %get3A_68 = vector.load %arg5[%get3A_66, %get3A_67] : memref<256x512xf32, #tpu.memory_space<vmem>>, vector<256x512xf32>
    %dot_general3A_69 = arith.constant dense<0.000000e+00> : vector<2000x512xf32>
    %dot_general3A_70 = tpu.matmul %get3A_65, %get3A_68, %dot_general3A_69 {dimension_numbers = #tpu.dot_dimension_numbers<[1], [0], [0], [1], [0, 0, 1, 1], [], []>, transpose_lhs_hint = false} : vector<2000x256xf32>, vector<256x512xf32>, vector<2000x512xf32> -> vector<2000x512xf32>
    %add3A_71 = arith.addf %add3A_62, %dot_general3A_70 : vector<2000x512xf32>
    %get3A_72 = arith.constant 0 : index
    %get3A_73 = arith.constant 0 : index
    %get3A_74 = vector.load %arg6[%get3A_72, %get3A_73] : memref<1x512xf32, #tpu.memory_space<vmem>>, vector<1x512xf32>
    %add3A_75 = vector.broadcast %get3A_74 : vector<1x512xf32> to vector<2000x512xf32>
    %add3A_76 = arith.addf %add3A_71, %add3A_75 : vector<2000x512xf32>
    %max3A_77 = arith.constant 0.000000e+00 : f32
    %max3A_78 = vector.broadcast %max3A_77 : f32 to vector<2000x512xf32>
    %max3A_79 = arith.maximumf %add3A_76, %max3A_78 : vector<2000x512xf32>
    %get3A_80 = arith.constant 0 : index
    %get3A_81 = arith.constant 0 : index
    %get3A_82 = vector.load %arg15[%get3A_80, %get3A_81] : memref<512x48xf32, #tpu.memory_space<vmem>>, vector<512x48xf32>
    %dot_general3A_83 = arith.constant dense<0.000000e+00> : vector<2000x48xf32>
    %dot_general3A_84 = tpu.matmul %max3A_79, %get3A_82, %dot_general3A_83 {dimension_numbers = #tpu.dot_dimension_numbers<[1], [0], [0], [1], [0, 0, 1, 1], [], []>, transpose_lhs_hint = false} : vector<2000x512xf32>, vector<512x48xf32>, vector<2000x48xf32> -> vector<2000x48xf32>
    %swap3A_85 = arith.constant 0 : index
    %swap3A_86 = arith.constant 0 : index
    %swap3A_87 = vector.load %arg12[%swap3A_85, %swap3A_86] : memref<2000x48xf32, #tpu.memory_space<vmem>>, vector<2000x48xf32>
    tpu.vector_store %arg12[%swap3A_85, %swap3A_86], %dot_general3A_84 {strides = array<i32>} : memref<2000x48xf32, #tpu.memory_space<vmem>>, vector<2000x48xf32>,
    %get3A_88 = arith.constant 0 : index
    %get3A_89 = arith.constant 0 : index
    %get3A_90 = vector.load %arg16[%get3A_88, %get3A_89] : memref<512x48xf32, #tpu.memory_space<vmem>>, vector<512x48xf32>
    %dot_general3A_91 = arith.constant dense<0.000000e+00> : vector<2000x48xf32>
    %dot_general3A_92 = tpu.matmul %max3A_79, %get3A_90, %dot_general3A_91 {dimension_numbers = #tpu.dot_dimension_numbers<[1], [0], [0], [1], [0, 0, 1, 1], [], []>, transpose_lhs_hint = false} : vector<2000x512xf32>, vector<512x48xf32>, vector<2000x48xf32> -> vector<2000x48xf32>
    %get3A_93 = arith.constant 0 : index
    %get3A_94 = arith.constant 0 : index
    %get3A_95 = vector.load %arg17[%get3A_93, %get3A_94] : memref<1x48xf32, #tpu.memory_space<vmem>>, vector<1x48xf32>
    %add3A_96 = vector.broadcast %get3A_95 : vector<1x48xf32> to vector<2000x48xf32>
    %add3A_97 = arith.addf %dot_general3A_92, %add3A_96 : vector<2000x48xf32>
    %swap3A_98 = arith.constant 0 : index
    %swap3A_99 = arith.constant 0 : index
    %swap3A_100 = vector.load %arg13[%swap3A_98, %swap3A_99] : memref<2000x48xf32, #tpu.memory_space<vmem>>, vector<2000x48xf32>
    tpu.vector_store %arg13[%swap3A_98, %swap3A_99], %add3A_97 {strides = array<i32>} : memref<2000x48xf32, #tpu.memory_space<vmem>>, vector<2000x48xf32>,
    return
  }
  func.func @transform_0(%arg0: i32) -> (i32, i32, i32, i32) {
    %c0_i32 = arith.constant 0 : i32
    %c0_i32_0 = arith.constant 0 : i32
    %c0_i32_1 = arith.constant 0 : i32
    %c0_i32_2 = arith.constant 0 : i32
    return %c0_i32, %c0_i32_0, %arg0, %c0_i32_1 : i32, i32, i32, i32
  }
  func.func @transform_1(%arg0: i32) -> (i32, i32, i32) {
    %c0_i32 = arith.constant 0 : i32
    %c0_i32_0 = arith.constant 0 : i32
    %c0_i32_1 = arith.constant 0 : i32
    return %c0_i32, %arg0, %c0_i32_0 : i32, i32, i32
  }
  func.func @transform_2(%arg0: i32) -> (i32, i32) {
    %c0_i32 = arith.constant 0 : i32
    %c0_i32_0 = arith.constant 0 : i32
    return %arg0, %c0_i32 : i32, i32
  }
  func.func @transform_3(%arg0: i32) -> (i32, i32) {
    %c0_i32 = arith.constant 0 : i32
    %c0_i32_0 = arith.constant 0 : i32
    %c0_i32_1 = arith.constant 0 : i32
    return %c0_i32, %c0_i32_0 : i32, i32
  }
  func.func @transform_4(%arg0: i32) -> (i32, i32) {
    %c0_i32 = arith.constant 0 : i32
    %c0_i32_0 = arith.constant 0 : i32
    %c0_i32_1 = arith.constant 0 : i32
    return %c0_i32, %c0_i32_0 : i32, i32
  }
  func.func @transform_5(%arg0: i32) -> (i32, i32) {
    %c0_i32 = arith.constant 0 : i32
    %c0_i32_0 = arith.constant 0 : i32
    %c0_i32_1 = arith.constant 0 : i32
    return %c0_i32, %c0_i32_0 : i32, i32
  }
  func.func @transform_6(%arg0: i32) -> (i32, i32) {
    %c0_i32 = arith.constant 0 : i32
    %c0_i32_0 = arith.constant 0 : i32
    %c0_i32_1 = arith.constant 0 : i32
    return %c0_i32, %c0_i32_0 : i32, i32
  }
  func.func @transform_7(%arg0: i32) -> (i32, i32) {
    %c0_i32 = arith.constant 0 : i32
    %c0_i32_0 = arith.constant 0 : i32
    %c0_i32_1 = arith.constant 0 : i32
    return %c0_i32, %c0_i32_0 : i32, i32
  }
  func.func @transform_8(%arg0: i32) -> (i32, i32) {
    %c0_i32 = arith.constant 0 : i32
    %c0_i32_0 = arith.constant 0 : i32
    %c0_i32_1 = arith.constant 0 : i32
    return %c0_i32, %c0_i32_0 : i32, i32
  }
  func.func @transform_9(%arg0: i32) -> (i32, i32) {
    %c0_i32 = arith.constant 0 : i32
    %c0_i32_0 = arith.constant 0 : i32
    %c0_i32_1 = arith.constant 0 : i32
    return %c0_i32, %c0_i32_0 : i32, i32
  }
  func.func @transform_10(%arg0: i32) -> (i32, i32) {
    %c0_i32 = arith.constant 0 : i32
    %c0_i32_0 = arith.constant 0 : i32
    %c0_i32_1 = arith.constant 0 : i32
    return %c0_i32, %c0_i32_0 : i32, i32
  }
  func.func @transform_11(%arg0: i32) -> (i32, i32) {
    %c0_i32 = arith.constant 0 : i32
    %c0_i32_0 = arith.constant 0 : i32
    return %arg0, %c0_i32 : i32, i32
  }
  func.func @transform_12(%arg0: i32) -> (i32, i32) {
    %c0_i32 = arith.constant 0 : i32
    %c0_i32_0 = arith.constant 0 : i32
    return %arg0, %c0_i32 : i32, i32
  }
  func.func @transform_13(%arg0: i32) -> (i32, i32) {
    %c0_i32 = arith.constant 0 : i32
    %c0_i32_0 = arith.constant 0 : i32
    return %arg0, %c0_i32 : i32, i32
  }
}

module attributes {stable_mosaic.version = 14 : i64} {
  func.func @_k4_body(%arg0: i32, %arg1: memref<2x2000x48xf32, #tpu.memory_space<vmem>>, %arg2: memref<2000x48xf32, #tpu.memory_space<vmem>>, %arg3: memref<2000x48xf32, #tpu.memory_space<vmem>>, %arg4: memref<2000x40xf32, #tpu.memory_space<vmem>>) attributes {dimension_semantics = [#tpu.dimension_semantics<arbitrary>], iteration_bounds = array<i64: 5>, scalar_prefetch = 0 : i64, scratch_operands = 0 : i64, tpu.core_type = #tpu.core_type<tc>, window_params = [{transform_indices = @transform_0, window_bounds = array<i64: 2, 2000, 48>}, {transform_indices = @transform_1, window_bounds = array<i64: 2000, 48>}, {transform_indices = @transform_2, window_bounds = array<i64: 2000, 48>}, {transform_indices = @transform_3, window_bounds = array<i64: 2000, 40>}]} {
    %get3A = arith.constant 0 : index
    %get3A_0 = arith.constant 0 : index
    %get3A_1 = arith.constant 0 : index
    %get3A_2 = vector.load %arg1[%get3A, %get3A_0, %get3A_1] : memref<2x2000x48xf32, #tpu.memory_space<vmem>>, vector<1x2000x48xf32>
    %get3A_3 = vector.shape_cast %get3A_2 : vector<1x2000x48xf32> to vector<2000x48xf32>
    %get3A_4 = arith.constant 1 : index
    %get3A_5 = arith.constant 0 : index
    %get3A_6 = arith.constant 0 : index
    %get3A_7 = vector.load %arg1[%get3A_4, %get3A_5, %get3A_6] : memref<2x2000x48xf32, #tpu.memory_space<vmem>>, vector<1x2000x48xf32>
    %get3A_8 = vector.shape_cast %get3A_7 : vector<1x2000x48xf32> to vector<2000x48xf32>
    %add3A = arith.addf %get3A_3, %get3A_8 : vector<2000x48xf32>
    %get3A_9 = arith.constant 0 : index
    %get3A_10 = arith.constant 0 : index
    %get3A_11 = vector.load %arg2[%get3A_9, %get3A_10] : memref<2000x48xf32, #tpu.memory_space<vmem>>, vector<2000x48xf32>
    %mul3A = arith.mulf %add3A, %get3A_11 : vector<2000x48xf32>
    %get3A_12 = arith.constant 0 : index
    %get3A_13 = arith.constant 0 : index
    %get3A_14 = vector.load %arg3[%get3A_12, %get3A_13] : memref<2000x48xf32, #tpu.memory_space<vmem>>, vector<2000x48xf32>
    %add3A_15 = arith.addf %mul3A, %get3A_14 : vector<2000x48xf32>
    %slice3A = vector.extract_strided_slice %add3A_15 {offsets = [0, 0], sizes = [2000, 40], strides = [1, 1]} : vector<2000x48xf32> to vector<2000x40xf32>
    %swap3A = arith.constant 0 : index
    %swap3A_16 = arith.constant 0 : index
    %swap3A_17 = vector.load %arg4[%swap3A, %swap3A_16] : memref<2000x40xf32, #tpu.memory_space<vmem>>, vector<2000x40xf32>
    tpu.vector_store %arg4[%swap3A, %swap3A_16], %slice3A {strides = array<i32>} : memref<2000x40xf32, #tpu.memory_space<vmem>>, vector<2000x40xf32>,
    return
  }
  func.func @transform_0(%arg0: i32) -> (i32, i32, i32) {
    %c0_i32 = arith.constant 0 : i32
    %c0_i32_0 = arith.constant 0 : i32
    %c0_i32_1 = arith.constant 0 : i32
    return %c0_i32, %arg0, %c0_i32_0 : i32, i32, i32
  }
  func.func @transform_1(%arg0: i32) -> (i32, i32) {
    %c0_i32 = arith.constant 0 : i32
    %c0_i32_0 = arith.constant 0 : i32
    return %arg0, %c0_i32 : i32, i32
  }
  func.func @transform_2(%arg0: i32) -> (i32, i32) {
    %c0_i32 = arith.constant 0 : i32
    %c0_i32_0 = arith.constant 0 : i32
    return %arg0, %c0_i32 : i32, i32
  }
  func.func @transform_3(%arg0: i32) -> (i32, i32) {
    %c0_i32 = arith.constant 0 : i32
    %c0_i32_0 = arith.constant 0 : i32
    return %arg0, %c0_i32 : i32, i32
  }
}

</mosaic_0001>

<sc_bundles>
// kernel: kernel.6.cloned.1.call-start
scs
__scs_entry_jumppad:
0x0: {  	(pc) =	sbr.rel $0x88, $3  }
0x1: {  	(tag) =	ssettag $0x0;
	lr =	simm.s32 $0x1  }
0x2: {  	[smem:$0x3F97] =	sst lr;
	_ =	strace $0xD0000000  }
0x3: {  	_ = 	snop  }
0x4: {  	_ = 	snop  }
0x5: {  	_ = 	snop  }
0x6: {  	_ = 	snop  }
0x7: {  	_ = 	snop  }
__scs_overlays_trampoline_lowered:
0x8: {  	[smem:$0x3FA6] =	sst s0  }
0x9: {  	[smem:$0x3FA7] =	sst s1  }
0xa: {  	[smem:$0x3FA8] =	sst s2  }
0xb: {  	[smem:$0x3FA9] =	sst s3  }
0xc: {  	[smem:$0x3FAA] =	sst s4  }
0xd: {  	[smem:$0x3FAB] =	sst s5  }
0xe: {  	[smem:$0x3FAC] =	sst s6  }
0xf: {  	[smem:$0x3FAD] =	sst s7  }
0x10: {  	[smem:$0x3FAE] =	sst s8  }
0x11: {  	[smem:$0x3FAF] =	sst s9;
	s0 =	simm.s32 @!p0 $0x0  }
0x12: {  	s1 =	sld [smem:$0x3F95];
	s0 =	simm.s32 @p0 $0x1  }
0x13: {  	[smem:$0x3FB0] =	sst s0;
	s0 =	simm.s32 @!p1 $0x0  }
0x14: {  	s2 =	sld [smem:$0x3F94];
	s0 =	simm.s32 @p1 $0x1  }
0x15: {  	[smem:$0x3FB1] =	sst s0;
	s0 =	simm.s32 @!p2 $0x0  }
0x16: {  	s3 =	sld [smem:$0x3FDB];
	s0 =	simm.s32 @p2 $0x1  }
0x17: {  	s4 =	simm.s32 $0x1BF5;
	[smem:$0x3FB3] =	sst s0  }
0x18: {  	s0 =	sld [smem:$0x3F96];
	_ =	swait.ge [sflag:s4], $0x0  }
0x19: {  	s7 =	sld [smem:$0x3F97]  }
0x1a: {  	s8 =	sadd.s32 $0xFFFFE003, lr  }
0x1b: {  	s9 =	sadd.s32 $0xFFFFFEF7, lr;
	s5 =	simm.s32 $0xFFFFFFFF;
	p2 =	slt.u32 s8, $0xFFFFF086  }
0x1c: {  	p1 =	slt.u32 s9, $0xF7A;
	s5 =	simm.s32 @!p2 $0x0  }
0x1d: {  	s5 =	simm.s32 @p1 $0x1;
	p0 =	seq.s32 s7, s2  }
0x1e: {  	s7 =	smul.u32 @!p0 $0xF7A, s2;
	p2 =	seq.s32 @!p0 s5, $0x0  }
0x1f: {  	s9 =	smul.u32 $0xF7A, s1;
	s8 =	simm.s32 @!p0 $0x1BF5;
	p2 =	por !p2, p0  }
0x20: {  	[sflag:s8] =	ssyncset.s32 @!p0 $0xFFFFF086;
	s6 =	sadd.s32 @!p0 s3, s7;
	s7 =	simm.s32 @!p0 $0x108  }
0x21: {  	s3 =	sadd.s32 s3, s9;
	s6 =	sadd.s32 @!p0 $0x88, s6;
	s7 =	simm.s32 @p2 $0x1082  }
0x22: {  	[simem:s7], [sflag:s8] =	dma.local @!p0 [hbm:s6], $0xF7A  }
0x23: {  	s9 =	sor.u32 $0xD0000000, s2;
	s6 =	simm.s32 $0x108;
	_ =	swait.ge @!p0 [sflag:s8], $0x0  }
0x24: {  	s3 =	sadd.s32 $0x88, s3;
	s6 =	simm.s32 @!p1 $0x1082;
	[sflag:s4] =	ssyncset.s32 $0xFFFFF086  }
0x25: {  	[simem:s6], [sflag:s4] =	dma.local [hbm:s3], $0xF7A  }
0x26: {  	[smem:$0x3F97] =	sst s1;
	(tag) =	ssettag s2;
	_ =	strace s9  }
0x27: {  	s1 =	sld [smem:$0x3FA7]  }
0x28: {  	s2 =	sld [smem:$0x3FA8]  }
0x29: {  	s4 =	sld [smem:$0x3FAA]  }
0x2a: {  	p0 =	seq.s32 s5, $0x0;
	s5 =	sld [smem:$0x3FAB]  }
0x2b: {  	s6 =	sld [smem:$0x3FAC]  }
0x2c: {  	s7 =	sld [smem:$0x3FAD]  }
0x2d: {  	s3 =	simm.s32 $0x108;
	s8 =	sld [smem:$0x3FAE]  }
0x2e: {  	s3 =	simm.s32 @!p0 $0x1082;
	s9 =	sld [smem:$0x3FAF]  }
0x2f: {  	lr =	sadd.s32 s0, s3;
	s0 =	sld [smem:$0x3FA6]  }
0x30: {  	s3 =	sld [smem:$0x3FA9]  }
0x31: {  	[smem:$0x3FB2] =	sst s10  }
0x32: {  	s10 =	sld [smem:$0x3FB0];
	_ =	sdelay $0x3  }
0x33: {  	p0 =	seq.s32 s10, $0x1;
	s10 =	sld [smem:$0x3FB2];
	_ =	sdelay $0x3  }
0x34: {  	[smem:$0x3FB2] =	sst s10  }
0x35: {  	s10 =	sld [smem:$0x3FB1];
	_ =	sdelay $0x3  }
0x36: {  	p1 =	seq.s32 s10, $0x1;
	s10 =	sld [smem:$0x3FB2];
	_ =	sdelay $0x3  }
0x37: {  	[smem:$0x3FB2] =	sst s10  }
0x38: {  	s10 =	sld [smem:$0x3FB3]  }
0x39: {  	_ = 	snop;
	(pc) =	sbr.ind lr, $3  }
0x3a: {  	_ = 	snop  }
0x3b: {  	_ = 	snop  }
0x3c: {  	p2 =	seq.s32 s10, $0x1;
	s10 =	sld [smem:$0x3FB2]  }
0x3d: {  	_ =	shalt  }
0x3e: {  	_ =	shalt  }
0x3f: {  	_ =	shalt  }
0x40: {  	_ =	shalt  }
0x41: {  	_ =	shalt  }
0x42: {  	_ =	shalt  }
0x43: {  	_ =	shalt  }
0x44: {  	_ =	shalt  }
0x45: {  	_ =	shalt  }
0x46: {  	_ =	shalt  }
0x47: {  	_ =	shalt  }
0x48: {  	_ =	shalt  }
0x49: {  	_ =	shalt  }
0x4a: {  	_ =	shalt  }
0x4b: {  	_ =	shalt  }
0x4c: {  	_ =	shalt  }
0x4d: {  	_ =	shalt  }
0x4e: {  	_ =	shalt  }
0x4f: {  	_ =	shalt  }
0x50: {  	_ =	shalt  }
0x51: {  	_ =	shalt  }
0x52: {  	_ =	shalt  }
0x53: {  	_ =	shalt  }
0x54: {  	_ =	shalt  }
0x55: {  	_ =	shalt  }
0x56: {  	_ =	shalt  }
0x57: {  	_ =	shalt  }
0x58: {  	_ =	shalt  }
0x59: {  	_ =	shalt  }
0x5a: {  	_ =	shalt  }
0x5b: {  	_ =	shalt  }
0x5c: {  	_ =	shalt  }
0x5d: {  	_ =	shalt  }
0x5e: {  	_ =	shalt  }
0x5f: {  	_ =	shalt  }
0x60: {  	_ =	shalt  }
0x61: {  	_ =	shalt  }
0x62: {  	_ =	shalt  }
0x63: {  	_ =	shalt  }
0x64: {  	_ =	shalt  }
0x65: {  	_ =	shalt  }
0x66: {  	_ =	shalt  }
0x67: {  	_ =	shalt  }
0x68: {  	_ =	shalt  }
0x69: {  	_ =	shalt  }
0x6a: {  	_ =	shalt  }
0x6b: {  	_ =	shalt  }
0x6c: {  	_ =	shalt  }
0x6d: {  	_ =	shalt  }
0x6e: {  	_ =	shalt  }
0x6f: {  	_ =	shalt  }
0x70: {  	_ =	shalt  }
0x71: {  	_ =	shalt  }
0x72: {  	_ =	shalt  }
0x73: {  	_ =	shalt  }
0x74: {  	_ =	shalt  }
0x75: {  	_ =	shalt  }
0x76: {  	_ =	shalt  }
0x77: {  	_ =	shalt  }
0x78: {  	_ =	shalt  }
0x79: {  	_ =	shalt  }
0x7a: {  	_ =	shalt  }
0x7b: {  	_ =	shalt  }
0x7c: {  	_ =	shalt  }
0x7d: {  	_ =	shalt  }
0x7e: {  	_ =	shalt  }
0x7f: {  	_ =	shalt  }
0x80: {  	_ =	shalt  }
0x81: {  	_ =	shalt  }
0x82: {  	_ =	shalt  }
0x83: {  	_ =	shalt  }
0x84: {  	_ =	shalt  }
0x85: {  	_ =	shalt  }
0x86: {  	_ =	shalt  }
0x87: {  	_ =	shalt  }
.Lfunc_end0:
.L_simem_size_0:
called_computation_lowered:
.L_overlay_start_0:
0x88: {  	s2 =	sld [smem:$0x3FD9]  }
0x89: {  	s3 =	sld [smem:$0x3FFE];
	_ =	sdelay $0x1  }
0x8a: {  	s1 =	srdreg.scid  }
0x8b: {  	s0 =	sand.u32 $0x1, s1  }
0x8c: {  	s17 =	sshll.u32 s0, $0xA;
	s2 =	sadd.s32 s3, s2  }
0x8d: {  	s2 =	sadd.s32 s2, s17  }
0x8e: {  	[smem:$0x3FBE] =	sst s2  }
0x8f: {  	_ = 	snop  }
0x90: {  	s2 =	sld [smem:$0x3FD0];
	(tm) =	ssettm $0x1  }
0x91: {  	s18 =	sld [smem:$0x3FFB];
	_ =	sdelay $0x3  }
0x92: {  	_ =	strace s18  }
0x93: {  	s3 =	sld [smem:$0x3FFC];
	_ =	sdelay $0x3  }
0x94: {  	_ =	strace s3  }
0x95: {  	s3 =	sld [smem:$0x3FFD];
	_ =	sdelay $0x3  }
0x96: {  	_ =	strace s3  }
0x97: {  	_ =	strace $0x8FFFFFFF  }
0x98: {  	s19 =	sld [smem:$0x3FDB];
	_ =	sdelay $0x1  }
0x99: {  	s4 =	simm.s32 $_scs_section_size  }
0x9a: {  	s5 =	simm.s32 $_size__tile_overlayer_lowered;
	s6 =	simm.s32 $_tile_overlayer_lowered  }
0x9b: {  	s22 =	simm.s32 $0x1BFF;
	s21 =	sshll.u32 s6, $0x1;
	s3 =	sadd.s32 s4, s19  }
0x9c: {  	s7 =	simm.s32 $0x0;
	s20 =	sshll.u32 s5, $0x1;
	s5 =	sadd.s32 s21, s3  }
0x9d: {  	[timem:s7], [sflag:s22] =	dma.local [hbm:s5], s20  }
0x9e: {  	_ =	swait.ge [sflag:s22], s20  }
0x9f: {  	s4 =	ssub.s32 $0x0, s20;
	[sflag:s22] =	ssyncset.done $0x0  }
0xa0: {  	[sflag:s22] =	ssyncadd.s32 s4;
	_ =	sdelay $0x1  }
0xa1: {  	s23 =	simm.s32 $0x1B8B  }
0xa2: {  	_ =	swait.ge [sflag:s23], $0x1  }
0xa3: {  	[sflag:s23] =	ssyncset.done $0x0  }
0xa4: {  	s25 =	simm.s32 $0x1B8E;
	s24 =	sld [smem:$0x3FFE];
	[sflag:s23] =	ssyncadd.s32 $0xFFFFFFFF  }
0xa5: {  	s26 =	simm.s32 $execute0_lowered;
	[smem:$0x3FD2] =	sst s25  }
0xa6: {  	s5 =	sshll.u32 s26, $0x1;
	_ =	strace $0x80000046;
	[dreg:$0x1] =	wrdreg $0xFFFFFFFF  }
0xa7: {  	s28 =	simm.s32 $_size_execute0_lowered;
	s3 =	sadd.s32 s3, s5;
	[dreg:$0x0] =	wrdreg $0x0  }
0xa8: {  	s5 =	sshll.u32 s28, $0x1;
	[dreg:$0x2] =	wrdreg s3  }
0xa9: {  	[dreg:$0x3] =	wrdreg s5  }
0xaa: {  	[dreg:$0x4] =	wrdreg $0xC0  }
0xab: {  	_ =	task [dreg:s7], $0x5FFFF  }
0xac: {  	[dreg:$0x1] =	wrdreg $0xFFFFFFFF  }
0xad: {  	[dreg:$0x0] =	wrdreg $0x60  }
0xae: {  	[dreg:$0x2] =	wrdreg s24  }
0xaf: {  	[dreg:$0x3] =	wrdreg s2  }
0xb0: {  	[dreg:$0x4] =	wrdreg $0x0  }
0xb1: {  	[dreg:$0x5] =	wrdreg $0x9  }
0xb2: {  	_ =	task.clear_ibuf [dreg:s7], $0x6FFFF;
	_ =	strace $0x90000046  }
0xb3: {  	s29 =	simm.s32 $0x9;
	_ =	strace $0x80000048  }
0xb4: {  	_ =	swait.ge [sflag:s29], $0x1  }
0xb5: {  	[sflag:s29] =	ssyncadd.s32 $0xFFFFFFFF  }
0xb6: {  	_ =	strace $0x90000048  }
0xb7: {  	_ =	sfence  }
0xb8: {  	s30 =	sld [smem:$0x0];
	_ =	sdelay $0x2  }
0xb9: {  	s31 =	sshll.u32 s1, $0xD;
	s1 =	sshrl.u32 s1, $0x2  }
0xba: {  	s3 =	sand.u32 $0x4000, s31;
	s1 =	sadd.s32 s1, s30  }
0xbb: {  	s0 =	sor.u32 s3, s0;
	s1 =	sshll.u32 s1, $0x11  }
0xbc: {  	s0 =	sor.u32 s1, s0  }
0xbd: {  	s0 =	sadd.s32 $0x8F2B, s0  }
0xbe: {  	[sflag:s0] =	ssyncadd.remote.s32 $0x1  }
0xbf: {  	_ =	sfence.sel $0xFFFF  }
0xc0: {  	[dreg:$0x0] =	wrdreg $0xFFFFFFFF;
	(pc) =	sbr.abs _section_cstart, $3  }
0xc1: {  	[dreg:$0x1] =	wrdreg $0xFFFFFFFF  }
0xc2: {  	_ =	task.clear_ibuf [dreg:s7], $0x2FFFF;
	_ =	strace $0x9FFFFFFF  }
0xc3: {  	(tm) =	ssettm $0x7FFFFFFF  }
tec
execute0_lowered:
.L_overlay_start_1:
0x0: {  	(tag) =	ssettag $0x1  }
0x1: {  	s1 =	rddreg [dreg:$0x0];
	s0 =	srdreg.scid  }
0x2: {  	s11 =	rddreg [dreg:$0x1];
	s20 =	stileid.u32  }
0x3: {  	s2 =	rddreg [dreg:$0x2];
	s3 =	simm.s32 $0x0;
	s15 =	simm.s32 $0x16800  }
0x4: {  	s17 =	simm.s32 $0x60;
	s18 =	simm.s32 $0x18F10;
	s5 =	smul.u32 $0x1388, s20  }
0x5: {  	s19 =	simm.s32 $0x1;
	s28 =	simm.s32 $0x18EA8;
	s8 =	smul.u32 $0x14000, s20  }
0x6: {  	s29 =	simm.s32 $0x18F08;
	s30 =	simm.s32 $0x12;
	s12 =	smul.u32 $0x5A000, s20  }
0x7: {  	s31 =	simm.s32 $0x0;
	s6 =	sand.u32 $0x1, s0;
	s25 =	smul.u32 $0x5000, s20  }
0x8: {  	[smem:$0x7FF] =	sst s3;
	s24 =	sshll.u32 s20, $0x6;
	s4 =	smul.u32 $0x13880, s6  }
0x9: {  	s20 =	simm.s32 $0x1C510;
	s7 =	smul.u32 $0x280000, s6;
	_ =	strace $0x80000047  }
0xa: {  	s21 =	ssub.s32 $0x2, s6;
	s22 =	smul.u32 $0x50000, s6;
	s6 =	sor.u32 $0x1C02, s24  }
0xb: {  	s10 =	sshrl.u32 s21, $0x1;
	s23 =	sshrl.u32 s12, $0x2;
	s4 =	sadd.s32 s5, s4  }
0xc: {  	s7 =	sadd.s32 s8, s7;
	s13 =	ssub.s32 s21, s10;
	s14 =	sadd.s32 s23, s2  }
0xd: {  	s12 =	sadd.s32 s25, s22;
	s21 =	simm.s32 $0x17B20;
	s22 =	simm.s32 $0x18E48  }
0xe: {  	s23 =	simm.s32 $0x8;
	s5 =	sshrl.u32 s4, $0x3;
	s4 =	sadd.s32 $0xB800, s1  }
0xf: {  	s7 =	sshrl.u32 s7, $0x4;
	s26 =	sadd.s32 $0x40, s14;
	s12 =	sshrl.u32 s12, $0x4  }
0x10: {  	s25 =	sadd.s32 $0x80, s14;
	s9 =	sadd.s32 s5, s1;
	s5 =	sadd.s32 $0x37800, s1  }
0x11: {  	s1 =	sadd.s32 s7, s1;
	s11 =	sadd.s32 s11, s12;
	s12 =	smax.u32 s13, $0x1  }
0x12: {  	s13 =	sshrl.u32 s14, $0x3;
	s14 =	simm.s32 $0x2;
	s24 =	sshrl.u32 s26, $0x3  }
0x13: {  	s25 =	sshrl.u32 s25, $0x3;
	s26 =	simm.s32 $0x17B80;
	s7 =	sadd.s32 $0x6800, s9  }
0x14: {  	s8 =	sadd.s32 $0x1800, s9;
	s9 =	sadd.s32 $0x3A600, s1;
	s10 =	sadd.s32 $0x4E600, s1  }
.LBB2_1:
0x15: {  	[spmem:s13], [sflag:s6] =	dma.local [hbm:s5], $0x2D00  }
0x16: {  	_ =	swait.ge [sflag:s14], $0x2D00  }
0x17: {  	[sflag:s14] =	ssyncset.done $0x0  }
0x18: {  	[sflag:s14] =	ssyncadd.s32 $0xFFFFD300  }
0x19: {  	[tilespmem:s15], [sflag:$0x2] =	stream.linear.gather [hbm4b:s7+s3], $0x1388, $0x38;
	[tilespmem:$0x1FB10] =	vst v63  }
0x1a: {  	_ =	swait.ge [sflag:s14], $0x1388  }
0x1b: {  	[sflag:s14] =	ssyncset.done $0x0  }
0x1c: {  	s0 =	simm.s32 $0x17B88;
	[sflag:s14] =	ssyncadd.s32 $0xFFFFEC78  }
0x1d: {  	[tilespmem:s0], [sflag:$0x2] =	stream.linear.gather [hbm4b:s8+s3], $0x1388, $0x38;
	[tilespmem:$0x1FB10] =	vst v63  }
0x1e: {  	_ =	swait.ge [sflag:s14], $0x1388  }
0x1f: {  	[sflag:s14] =	ssyncset.done $0x0  }
0x20: {  	[sflag:s14] =	ssyncadd.s32 $0xFFFFEC78  }
0x21: {  	[bflag:$0x0] =	sbarrier.arrive $0xFFFF  }
0x22: {  	[tilespmem:s18], [sflag:$0x1] =	stream.indirect.gather [hbm4b:s4+s17], $0x90, s15, s17, $0xb8;
	[tilespmem:$0x1FB10] =	vst v63  }
0x23: {  	_ =	swait.ge [sflag:s19], $0x3600  }
0x24: {  	[sflag:s19] =	ssyncset.done $0x0  }
0x25: {  	s1 =	simm.s32 $0x16860;
	[sflag:s19] =	ssyncadd.s32 $0xFFFFCA00  }
0x26: {  	[tilespmem:s20], [sflag:$0x1] =	stream.indirect.gather [hbm4b:s4+s17], $0x90, s1, s17, $0xb8;
	[tilespmem:$0x1FB10] =	vst v63  }
0x27: {  	s16 =	simm.s32 $0x17B88  }
0x28: {  	[spmem:s2] =	stream.indirect.scatter.add.bf16 [tilespmem:s18], [sflag:$0x2], $0x90, s16, s17, $0xb8;
	[tilespmem:$0x1FB10] =	vst v63  }
0x29: {  	_ =	swait.ge [sflag:s14], $0x3600  }
0x2a: {  	[sflag:s14] =	ssyncset.done $0x0  }
0x2b: {  	[sflag:s14] =	ssyncadd.s32 $0xFFFFCA00  }
0x2c: {  	_ =	swait.ge [sflag:s19], $0x3600  }
0x2d: {  	[sflag:s19] =	ssyncset.done $0x0  }
0x2e: {  	s0 =	simm.s32 $0x168C0;
	[sflag:s19] =	ssyncadd.s32 $0xFFFFCA00  }
0x2f: {  	[tilespmem:s18], [sflag:$0x1] =	stream.indirect.gather [hbm4b:s4+s17], $0x90, s0, s17, $0xb8;
	[tilespmem:$0x1FB10] =	vst v63  }
0x30: {  	s16 =	simm.s32 $0x17BE8  }
0x31: {  	[spmem:s2] =	stream.indirect.scatter.add.bf16 [tilespmem:s20], [sflag:$0x2], $0x90, s16, s17, $0xb8;
	[tilespmem:$0x1FB10] =	vst v63  }
0x32: {  	_ =	swait.ge [sflag:s14], $0x3600  }
0x33: {  	s1 =	simm.s32 $0x300;
	[sflag:s14] =	ssyncset.done $0x0  }
.LBB2_2:
0x34: {  	p0 =	sne.s32 s1, $0x4800  }
0x35: {  	[sflag:s14] =	ssyncadd.s32 $0xFFFFCA00;
	s0 =	smov.u32 s1;
	s1 =	sadd.s32 $0x300, s1  }
0x36: {  	_ = 	snop  }
0x37: {  	_ =	swait.ge [sflag:s19], $0x3600  }
0x38: {  	s0 =	sshra.s32 s0, $0x2;
	[sflag:s19] =	ssyncset.done $0x0  }
0x39: {  	s16 =	sadd.s32 $0x16860, s0;
	[sflag:s19] =	ssyncadd.s32 $0xFFFFCA00  }
0x3a: {  	[tilespmem:s20], [sflag:$0x1] =	stream.indirect.gather [hbm4b:s4+s17], $0x90, s16, s17, $0xb8;
	[tilespmem:$0x1FB10] =	vst v63  }
0x3b: {  	s16 =	sadd.s32 $0x17B88, s0  }
0x3c: {  	[spmem:s2] =	stream.indirect.scatter.add.bf16 [tilespmem:s18], [sflag:$0x2], $0x90, s16, s17, $0xb8;
	[tilespmem:$0x1FB10] =	vst v63  }
0x3d: {  	_ =	swait.ge [sflag:s14], $0x3600  }
0x3e: {  	[sflag:s14] =	ssyncset.done $0x0  }
0x3f: {  	[sflag:s14] =	ssyncadd.s32 $0xFFFFCA00  }
0x40: {  	_ =	swait.ge [sflag:s19], $0x3600  }
0x41: {  	[sflag:s19] =	ssyncset.done $0x0  }
0x42: {  	s16 =	sadd.s32 $0x168C0, s0;
	[sflag:s19] =	ssyncadd.s32 $0xFFFFCA00  }
0x43: {  	[tilespmem:s18], [sflag:$0x1] =	stream.indirect.gather [hbm4b:s4+s17], $0x90, s16, s17, $0xb8;
	[tilespmem:$0x1FB10] =	vst v63  }
.Ltmp0:
0x44: {  	_ = 	snop;
	(pc) =	sbr.rel @p0 .LBB2_2-.Ltmp0, $4  }
0x45: {  	s0 =	sadd.s32 $0x17BE8, s0  }
0x46: {  	[spmem:s2] =	stream.indirect.scatter.add.bf16 [tilespmem:s20], [sflag:$0x2], $0x90, s0, s17, $0xb8;
	[tilespmem:$0x1FB10] =	vst v63  }
0x47: {  	_ =	swait.ge [sflag:s14], $0x3600  }
0x48: {  	[sflag:s14] =	ssyncset.done $0x0  }
0x49: {  	[sflag:s14] =	ssyncadd.s32 $0xFFFFCA00  }
0x4a: {  	_ =	swait.ge [sflag:s19], $0x3600  }
0x4b: {  	[sflag:s19] =	ssyncset.done $0x0  }
0x4c: {  	[sflag:s19] =	ssyncadd.s32 $0xFFFFCA00  }
0x4d: {  	[tilespmem:s20], [sflag:$0x1] =	stream.indirect.gather [hbm4b:s4+s17], $0x90, s21, s17, $0xb8;
	[tilespmem:$0x1FB10] =	vst v63  }
0x4e: {  	_ = 	snop  }
0x4f: {  	[spmem:s2] =	stream.indirect.scatter.add.bf16 [tilespmem:s18], [sflag:$0x2], $0x90, s22, s17, $0xb8;
	[tilespmem:$0x1FB10] =	vst v63  }
0x50: {  	_ =	swait.ge [sflag:s14], $0x3600  }
0x51: {  	[sflag:s14] =	ssyncset.done $0x0  }
0x52: {  	[sflag:s14] =	ssyncadd.s32 $0xFFFFCA00  }
0x53: {  	_ =	swait.ge [sflag:s19], $0x3600  }
0x54: {  	[sflag:s19] =	ssyncset.done $0x0  }
0x55: {  	[sflag:s19] =	ssyncadd.s32 $0xFFFFCA00  }
0x56: {  	[tilespmem:s18], [sflag:$0x1] =	stream.indirect.gather [hbm4b:s4+s23], $0x90, s26, s23, $0xb8;
	[tilespmem:$0x1FB10] =	vst v63  }
0x57: {  	_ = 	snop  }
0x58: {  	[spmem:s2] =	stream.indirect.scatter.add.bf16 [tilespmem:s20], [sflag:$0x2], $0x90, s28, s17, $0xb8;
	[tilespmem:$0x1FB10] =	vst v63  }
0x59: {  	_ =	swait.ge [sflag:s14], $0x3600  }
0x5a: {  	[sflag:s14] =	ssyncset.done $0x0  }
0x5b: {  	[sflag:s14] =	ssyncadd.s32 $0xFFFFCA00  }
0x5c: {  	_ =	swait.ge [sflag:s19], $0x480  }
0x5d: {  	[sflag:s19] =	ssyncset.done $0x0  }
0x5e: {  	[sflag:s19] =	ssyncadd.s32 $0xFFFFFB80  }
0x5f: {  	[spmem:s2] =	stream.indirect.scatter.add.bf16 [tilespmem:s18], [sflag:$0x2], $0x90, s29, s23, $0xb8;
	[tilespmem:$0x1FB10] =	vst v63  }
0x60: {  	_ =	swait.ge [sflag:s14], $0x480  }
0x61: {  	[sflag:s14] =	ssyncset.done $0x0  }
0x62: {  	[sflag:s14] =	ssyncadd.s32 $0xFFFFFB80  }
0x63: {  	[bflag:$0x0] =	sbarrier.arrive $0xFFFF  }
0x64: {  	[hbm:s9@s23], [sflag:s6] =	dma.strided [spmem:s13@s30], $0x1400, s19, $0x8   }
0x65: {  	_ =	swait.ge [sflag:s14], $0x1400  }
0x66: {  	[sflag:s14] =	ssyncset.done $0x0  }
0x67: {  	[sflag:s14] =	ssyncadd.s32 $0xFFFFEC00  }
0x68: {  	[hbm:s10@s23], [sflag:s6] =	dma.strided [spmem:s24@s30], $0x1400, s19, $0x8   }
0x69: {  	s31 =	sadd.s32 $0x1, s31;
	_ =	swait.ge [sflag:s14], $0x1400  }
0x6a: {  	p0 =	sne.s32 s31, s12;
	[sflag:s14] =	ssyncset.done $0x0  }
.Ltmp1:
0x6b: {  	[sflag:s14] =	ssyncadd.s32 $0xFFFFEC00;
	(pc) =	sbr.rel @p0 .LBB2_1-.Ltmp1, $4  }
0x6c: {  	[hbm:s11@s14], [sflag:s6] =	dma.strided [spmem:s25@s30], $0x500, s19, $0x2   }
0x6d: {  	_ =	swait.ge [sflag:s14], $0x500  }
0x6e: {  	[sflag:s14] =	ssyncset.done $0x0  }
0x6f: {  	[sflag:s14] =	ssyncadd.s32 $0xFFFFFB00  }
0x70: {  	_ =	sfence.sel $0x180000  }
0x71: {  	[bflag:$0x0] =	sbarrier.arrive $0xFFFF  }
0x72: {  	_ =	strace $0x90000047  }
0x73: {  	s0 =	stileid.u32;
	[bflag:$0x2] =	sbarrier.arrive $0xFFFF  }
0x74: {  	p0 =	sne.s32 s0, $0x0;
	s0 =	rddreg [dreg:$0x3]  }
0x75: {  	s0 =	sadd.s32 @!p0 $0x100000, s0  }
0x76: {  	[sflag:s0] =	ssyncadd.tile.s32 @!p0 $0x1;
	_ =	shalt  }
.Lfunc_end2:
_tile_overlayer_lowered:
.L_overlay_start_2:
0x77: {  	(tag) =	ssettag $0x2  }
0x78: {  	s0 =	rddreg [dreg:$0x0];
	s2 =	stileid.u32  }
0x79: {  	s1 =	rddreg [dreg:$0x1];
	p0 =	sne.s32 s2, $0x0  }
0x7a: {  	s3 =	rddreg [dreg:$0x2];
	[bflag:$0x3] =	sbarrier.arrive $0xFFFF;
	s2 =	simm.s32 @!p0 $0x1C02  }
0x7b: {  	[timem:s3], [sflag:s2] =	dma.local @!p0 [hbm:s0], s1  }
0x7c: {  	s0 =	simm.s32 @!p0 $0x2  }
0x7d: {  	_ =	swait.ge @!p0 [sflag:s0], s1  }
0x7e: {  	s1 =	ssub.s32 @!p0 $0x0, s1;
	[sflag:s0] =	ssyncset.done @!p0 $0x0  }
0x7f: {  	[sflag:s0] =	ssyncadd.s32 @!p0 s1  }
0x80: {  	[bflag:$0x3] =	sbarrier.arrive $0xFFFF  }
0x81: {  	_ =	shalt  }

// kernel: kernel.9.cloned.1.call-start
scs
__scs_entry_jumppad:
0x0: {  	(pc) =	sbr.rel $0x88, $3  }
0x1: {  	(tag) =	ssettag $0x0;
	lr =	simm.s32 $0x1  }
0x2: {  	[smem:$0x3F97] =	sst lr;
	_ =	strace $0xD0000000  }
0x3: {  	_ = 	snop  }
0x4: {  	_ = 	snop  }
0x5: {  	_ = 	snop  }
0x6: {  	_ = 	snop  }
0x7: {  	_ = 	snop  }
__scs_overlays_trampoline_lowered:
0x8: {  	[smem:$0x3FA6] =	sst s0  }
0x9: {  	[smem:$0x3FA7] =	sst s1  }
0xa: {  	[smem:$0x3FA8] =	sst s2  }
0xb: {  	[smem:$0x3FA9] =	sst s3  }
0xc: {  	[smem:$0x3FAA] =	sst s4  }
0xd: {  	[smem:$0x3FAB] =	sst s5  }
0xe: {  	[smem:$0x3FAC] =	sst s6  }
0xf: {  	[smem:$0x3FAD] =	sst s7  }
0x10: {  	[smem:$0x3FAE] =	sst s8  }
0x11: {  	[smem:$0x3FAF] =	sst s9;
	s0 =	simm.s32 @!p0 $0x0  }
0x12: {  	s1 =	sld [smem:$0x3F95];
	s0 =	simm.s32 @p0 $0x1  }
0x13: {  	[smem:$0x3FB0] =	sst s0;
	s0 =	simm.s32 @!p1 $0x0  }
0x14: {  	s2 =	sld [smem:$0x3F94];
	s0 =	simm.s32 @p1 $0x1  }
0x15: {  	[smem:$0x3FB1] =	sst s0;
	s0 =	simm.s32 @!p2 $0x0  }
0x16: {  	s3 =	sld [smem:$0x3FDB];
	s0 =	simm.s32 @p2 $0x1  }
0x17: {  	s4 =	simm.s32 $0x1BF5;
	[smem:$0x3FB3] =	sst s0  }
0x18: {  	s0 =	sld [smem:$0x3F96];
	_ =	swait.ge [sflag:s4], $0x0  }
0x19: {  	s7 =	sld [smem:$0x3F97]  }
0x1a: {  	s8 =	sadd.s32 $0xFFFFE003, lr  }
0x1b: {  	s9 =	sadd.s32 $0xFFFFFEF7, lr;
	s5 =	simm.s32 $0xFFFFFFFF;
	p2 =	slt.u32 s8, $0xFFFFF086  }
0x1c: {  	p1 =	slt.u32 s9, $0xF7A;
	s5 =	simm.s32 @!p2 $0x0  }
0x1d: {  	s5 =	simm.s32 @p1 $0x1;
	p0 =	seq.s32 s7, s2  }
0x1e: {  	s7 =	smul.u32 @!p0 $0xF7A, s2;
	p2 =	seq.s32 @!p0 s5, $0x0  }
0x1f: {  	s9 =	smul.u32 $0xF7A, s1;
	s8 =	simm.s32 @!p0 $0x1BF5;
	p2 =	por !p2, p0  }
0x20: {  	[sflag:s8] =	ssyncset.s32 @!p0 $0xFFFFF086;
	s6 =	sadd.s32 @!p0 s3, s7;
	s7 =	simm.s32 @!p0 $0x108  }
0x21: {  	s3 =	sadd.s32 s3, s9;
	s6 =	sadd.s32 @!p0 $0x88, s6;
	s7 =	simm.s32 @p2 $0x1082  }
0x22: {  	[simem:s7], [sflag:s8] =	dma.local @!p0 [hbm:s6], $0xF7A  }
0x23: {  	s9 =	sor.u32 $0xD0000000, s2;
	s6 =	simm.s32 $0x108;
	_ =	swait.ge @!p0 [sflag:s8], $0x0  }
0x24: {  	s3 =	sadd.s32 $0x88, s3;
	s6 =	simm.s32 @!p1 $0x1082;
	[sflag:s4] =	ssyncset.s32 $0xFFFFF086  }
0x25: {  	[simem:s6], [sflag:s4] =	dma.local [hbm:s3], $0xF7A  }
0x26: {  	[smem:$0x3F97] =	sst s1;
	(tag) =	ssettag s2;
	_ =	strace s9  }
0x27: {  	s1 =	sld [smem:$0x3FA7]  }
0x28: {  	s2 =	sld [smem:$0x3FA8]  }
0x29: {  	s4 =	sld [smem:$0x3FAA]  }
0x2a: {  	p0 =	seq.s32 s5, $0x0;
	s5 =	sld [smem:$0x3FAB]  }
0x2b: {  	s6 =	sld [smem:$0x3FAC]  }
0x2c: {  	s7 =	sld [smem:$0x3FAD]  }
0x2d: {  	s3 =	simm.s32 $0x108;
	s8 =	sld [smem:$0x3FAE]  }
0x2e: {  	s3 =	simm.s32 @!p0 $0x1082;
	s9 =	sld [smem:$0x3FAF]  }
0x2f: {  	lr =	sadd.s32 s0, s3;
	s0 =	sld [smem:$0x3FA6]  }
0x30: {  	s3 =	sld [smem:$0x3FA9]  }
0x31: {  	[smem:$0x3FB2] =	sst s10  }
0x32: {  	s10 =	sld [smem:$0x3FB0];
	_ =	sdelay $0x3  }
0x33: {  	p0 =	seq.s32 s10, $0x1;
	s10 =	sld [smem:$0x3FB2];
	_ =	sdelay $0x3  }
0x34: {  	[smem:$0x3FB2] =	sst s10  }
0x35: {  	s10 =	sld [smem:$0x3FB1];
	_ =	sdelay $0x3  }
0x36: {  	p1 =	seq.s32 s10, $0x1;
	s10 =	sld [smem:$0x3FB2];
	_ =	sdelay $0x3  }
0x37: {  	[smem:$0x3FB2] =	sst s10  }
0x38: {  	s10 =	sld [smem:$0x3FB3]  }
0x39: {  	_ = 	snop;
	(pc) =	sbr.ind lr, $3  }
0x3a: {  	_ = 	snop  }
0x3b: {  	_ = 	snop  }
0x3c: {  	p2 =	seq.s32 s10, $0x1;
	s10 =	sld [smem:$0x3FB2]  }
0x3d: {  	_ =	shalt  }
0x3e: {  	_ =	shalt  }
0x3f: {  	_ =	shalt  }
0x40: {  	_ =	shalt  }
0x41: {  	_ =	shalt  }
0x42: {  	_ =	shalt  }
0x43: {  	_ =	shalt  }
0x44: {  	_ =	shalt  }
0x45: {  	_ =	shalt  }
0x46: {  	_ =	shalt  }
0x47: {  	_ =	shalt  }
0x48: {  	_ =	shalt  }
0x49: {  	_ =	shalt  }
0x4a: {  	_ =	shalt  }
0x4b: {  	_ =	shalt  }
0x4c: {  	_ =	shalt  }
0x4d: {  	_ =	shalt  }
0x4e: {  	_ =	shalt  }
0x4f: {  	_ =	shalt  }
0x50: {  	_ =	shalt  }
0x51: {  	_ =	shalt  }
0x52: {  	_ =	shalt  }
0x53: {  	_ =	shalt  }
0x54: {  	_ =	shalt  }
0x55: {  	_ =	shalt  }
0x56: {  	_ =	shalt  }
0x57: {  	_ =	shalt  }
0x58: {  	_ =	shalt  }
0x59: {  	_ =	shalt  }
0x5a: {  	_ =	shalt  }
0x5b: {  	_ =	shalt  }
0x5c: {  	_ =	shalt  }
0x5d: {  	_ =	shalt  }
0x5e: {  	_ =	shalt  }
0x5f: {  	_ =	shalt  }
0x60: {  	_ =	shalt  }
0x61: {  	_ =	shalt  }
0x62: {  	_ =	shalt  }
0x63: {  	_ =	shalt  }
0x64: {  	_ =	shalt  }
0x65: {  	_ =	shalt  }
0x66: {  	_ =	shalt  }
0x67: {  	_ =	shalt  }
0x68: {  	_ =	shalt  }
0x69: {  	_ =	shalt  }
0x6a: {  	_ =	shalt  }
0x6b: {  	_ =	shalt  }
0x6c: {  	_ =	shalt  }
0x6d: {  	_ =	shalt  }
0x6e: {  	_ =	shalt  }
0x6f: {  	_ =	shalt  }
0x70: {  	_ =	shalt  }
0x71: {  	_ =	shalt  }
0x72: {  	_ =	shalt  }
0x73: {  	_ =	shalt  }
0x74: {  	_ =	shalt  }
0x75: {  	_ =	shalt  }
0x76: {  	_ =	shalt  }
0x77: {  	_ =	shalt  }
0x78: {  	_ =	shalt  }
0x79: {  	_ =	shalt  }
0x7a: {  	_ =	shalt  }
0x7b: {  	_ =	shalt  }
0x7c: {  	_ =	shalt  }
0x7d: {  	_ =	shalt  }
0x7e: {  	_ =	shalt  }
0x7f: {  	_ =	shalt  }
0x80: {  	_ =	shalt  }
0x81: {  	_ =	shalt  }
0x82: {  	_ =	shalt  }
0x83: {  	_ =	shalt  }
0x84: {  	_ =	shalt  }
0x85: {  	_ =	shalt  }
0x86: {  	_ =	shalt  }
0x87: {  	_ =	shalt  }
.Lfunc_end0:
.L_simem_size_0:
called_computation.1_lowered:
.L_overlay_start_0:
0x88: {  	s2 =	sld [smem:$0x3FD9]  }
0x89: {  	s3 =	sld [smem:$0x3FFE];
	_ =	sdelay $0x1  }
0x8a: {  	s1 =	srdreg.scid  }
0x8b: {  	s0 =	sand.u32 $0x1, s1  }
0x8c: {  	s17 =	sshll.u32 s0, $0xA;
	s2 =	sadd.s32 s3, s2  }
0x8d: {  	s2 =	sadd.s32 s2, s17  }
0x8e: {  	[smem:$0x3FBE] =	sst s2  }
0x8f: {  	_ = 	snop  }
0x90: {  	s2 =	sld [smem:$0x3FD0];
	(tm) =	ssettm $0x1  }
0x91: {  	s18 =	sld [smem:$0x3FFB];
	_ =	sdelay $0x3  }
0x92: {  	_ =	strace s18  }
0x93: {  	s3 =	sld [smem:$0x3FFC];
	_ =	sdelay $0x3  }
0x94: {  	_ =	strace s3  }
0x95: {  	s3 =	sld [smem:$0x3FFD];
	_ =	sdelay $0x3  }
0x96: {  	_ =	strace s3  }
0x97: {  	_ =	strace $0x8FFFFFFF  }
0x98: {  	s19 =	sld [smem:$0x3FDB];
	_ =	sdelay $0x1  }
0x99: {  	s4 =	simm.s32 $_scs_section_size  }
0x9a: {  	s5 =	simm.s32 $_size__tile_overlayer_lowered;
	s6 =	simm.s32 $_tile_overlayer_lowered  }
0x9b: {  	s22 =	simm.s32 $0x1BFF;
	s21 =	sshll.u32 s6, $0x1;
	s3 =	sadd.s32 s4, s19  }
0x9c: {  	s7 =	simm.s32 $0x0;
	s20 =	sshll.u32 s5, $0x1;
	s5 =	sadd.s32 s21, s3  }
0x9d: {  	[timem:s7], [sflag:s22] =	dma.local [hbm:s5], s20  }
0x9e: {  	_ =	swait.ge [sflag:s22], s20  }
0x9f: {  	s4 =	ssub.s32 $0x0, s20;
	[sflag:s22] =	ssyncset.done $0x0  }
0xa0: {  	[sflag:s22] =	ssyncadd.s32 s4;
	_ =	sdelay $0x1  }
0xa1: {  	s23 =	simm.s32 $0x1B8B  }
0xa2: {  	_ =	swait.ge [sflag:s23], $0x1  }
0xa3: {  	[sflag:s23] =	ssyncset.done $0x0  }
0xa4: {  	s25 =	simm.s32 $0x1B8E;
	s24 =	sld [smem:$0x3FFE];
	[sflag:s23] =	ssyncadd.s32 $0xFFFFFFFF  }
0xa5: {  	s26 =	simm.s32 $execute0_lowered;
	[smem:$0x3FD2] =	sst s25  }
0xa6: {  	s5 =	sshll.u32 s26, $0x1;
	_ =	strace $0x80000049;
	[dreg:$0x1] =	wrdreg $0xFFFFFFFF  }
0xa7: {  	s28 =	simm.s32 $_size_execute0_lowered;
	s3 =	sadd.s32 s3, s5;
	[dreg:$0x0] =	wrdreg $0x0  }
0xa8: {  	s5 =	sshll.u32 s28, $0x1;
	[dreg:$0x2] =	wrdreg s3  }
0xa9: {  	[dreg:$0x3] =	wrdreg s5  }
0xaa: {  	[dreg:$0x4] =	wrdreg $0xC0  }
0xab: {  	_ =	task [dreg:s7], $0x5FFFF  }
0xac: {  	[dreg:$0x1] =	wrdreg $0xFFFFFFFF  }
0xad: {  	[dreg:$0x0] =	wrdreg $0x60  }
0xae: {  	[dreg:$0x2] =	wrdreg s24  }
0xaf: {  	[dreg:$0x3] =	wrdreg s2  }
0xb0: {  	[dreg:$0x4] =	wrdreg $0x0  }
0xb1: {  	[dreg:$0x5] =	wrdreg $0x9  }
0xb2: {  	_ =	task.clear_ibuf [dreg:s7], $0x6FFFF;
	_ =	strace $0x90000049  }
0xb3: {  	s29 =	simm.s32 $0x9;
	_ =	strace $0x8000004B  }
0xb4: {  	_ =	swait.ge [sflag:s29], $0x1  }
0xb5: {  	[sflag:s29] =	ssyncadd.s32 $0xFFFFFFFF  }
0xb6: {  	_ =	strace $0x9000004B  }
0xb7: {  	_ =	sfence  }
0xb8: {  	s30 =	sld [smem:$0x0];
	_ =	sdelay $0x2  }
0xb9: {  	s31 =	sshll.u32 s1, $0xD;
	s1 =	sshrl.u32 s1, $0x2  }
0xba: {  	s3 =	sand.u32 $0x4000, s31;
	s1 =	sadd.s32 s1, s30  }
0xbb: {  	s0 =	sor.u32 s3, s0;
	s1 =	sshll.u32 s1, $0x11  }
0xbc: {  	s0 =	sor.u32 s1, s0  }
0xbd: {  	s0 =	sadd.s32 $0x8F2B, s0  }
0xbe: {  	[sflag:s0] =	ssyncadd.remote.s32 $0x1  }
0xbf: {  	_ =	sfence.sel $0xFFFF  }
0xc0: {  	[dreg:$0x0] =	wrdreg $0xFFFFFFFF;
	(pc) =	sbr.abs _section_cstart, $3  }
0xc1: {  	[dreg:$0x1] =	wrdreg $0xFFFFFFFF  }
0xc2: {  	_ =	task.clear_ibuf [dreg:s7], $0x2FFFF;
	_ =	strace $0x9FFFFFFF  }
0xc3: {  	(tm) =	ssettm $0x7FFFFFFF  }
tec
execute0_lowered:
.L_overlay_start_1:
0x0: {  	(tag) =	ssettag $0x1  }
0x1: {  	s6 =	rddreg [dreg:$0x0]  }
0x2: {  	s2 =	rddreg [dreg:$0x1]  }
0x3: {  	s0 =	srdreg.scid;
	s3 =	rddreg [dreg:$0x2]  }
0x4: {  	s1 =	rddreg [dreg:$0x3];
	s4 =	simm.s32 $0x0;
	s13 =	simm.s32 $0x7800  }
0x5: {  	s14 =	simm.s32 $0x8B88;
	s15 =	simm.s32 $0x60;
	s16 =	simm.s32 $0x9F10  }
0x6: {  	s17 =	simm.s32 $0x1;
	s18 =	simm.s32 $0xB110;
	s19 =	simm.s32 $0x8B20  }
0x7: {  	s20 =	simm.s32 $0x9E48;
	s21 =	simm.s32 $0x8;
	s7 =	sand.u32 $0x1, s0  }
0x8: {  	s22 =	simm.s32 $0x8B80;
	s0 =	stileid.u32;
	s8 =	smul.u32 $0x13880, s7  }
0x9: {  	s23 =	simm.s32 $0x9EA8;
	s24 =	simm.s32 $0x9F08;
	s9 =	smul.u32 $0x1388, s0  }
0xa: {  	s25 =	simm.s32 $0x0;
	[smem:$0x7FF] =	sst s4;
	s10 =	smul.u32 $0x7800, s0  }
0xb: {  	s5 =	sadd.s32 $0xB800, s6;
	s11 =	smul.u32 $0x78000, s7;
	s7 =	ssub.s32 $0x2, s7  }
0xc: {  	_ =	strace $0x8000004A;
	s31 =	sshll.u32 s0, $0x6;
	s30 =	sshrl.u32 s7, $0x1  }
0xd: {  	s8 =	sadd.s32 s9, s8;
	s29 =	sadd.s32 s10, s11;
	s11 =	ssub.s32 s7, s30  }
0xe: {  	s12 =	sadd.s32 s10, s3;
	s8 =	sshrl.u32 s8, $0x3;
	s9 =	sshrl.u32 s29, $0x3  }
0xf: {  	s10 =	smax.u32 s11, $0x1;
	s11 =	sshrl.u32 s12, $0x3;
	s12 =	simm.s32 $0x2  }
0x10: {  	s8 =	sadd.s32 s8, s6;
	s9 =	sadd.s32 s9, s6;
	s6 =	sor.u32 $0x1C02, s31  }
0x11: {  	s7 =	sadd.s32 $0x6800, s8;
	s8 =	sadd.s32 $0x1800, s8;
	s9 =	sadd.s32 $0x1A400, s9  }
.LBB2_1:
0x12: {  	[spmem:s11], [sflag:s6] =	dma.local [hbm:s2], $0xF00  }
0x13: {  	_ =	swait.ge [sflag:s12], $0xF00  }
0x14: {  	[sflag:s12] =	ssyncset.done $0x0  }
0x15: {  	[sflag:s12] =	ssyncadd.s32 $0xFFFFF100  }
0x16: {  	[tilespmem:s13], [sflag:$0x2] =	stream.linear.gather [hbm4b:s7+s4], $0x1388, $0x38;
	[tilespmem:$0xC310] =	vst v63  }
0x17: {  	_ =	swait.ge [sflag:s12], $0x1388  }
0x18: {  	[sflag:s12] =	ssyncset.done $0x0  }
0x19: {  	[sflag:s12] =	ssyncadd.s32 $0xFFFFEC78  }
0x1a: {  	[tilespmem:s14], [sflag:$0x2] =	stream.linear.gather [hbm4b:s8+s4], $0x1388, $0x38;
	[tilespmem:$0xC310] =	vst v63  }
0x1b: {  	_ =	swait.ge [sflag:s12], $0x1388  }
0x1c: {  	[sflag:s12] =	ssyncset.done $0x0  }
0x1d: {  	[sflag:s12] =	ssyncadd.s32 $0xFFFFEC78  }
0x1e: {  	[bflag:$0x0] =	sbarrier.arrive $0xFFFF  }
0x1f: {  	[tilespmem:s16], [sflag:$0x1] =	stream.indirect.gather [hbm4b:s5+s15], $0x30, s13, s15, $0xb8;
	[tilespmem:$0xC310] =	vst v63  }
0x20: {  	_ =	swait.ge [sflag:s17], $0x1200  }
0x21: {  	[sflag:s17] =	ssyncset.done $0x0  }
0x22: {  	s26 =	simm.s32 $0x7860;
	[sflag:s17] =	ssyncadd.s32 $0xFFFFEE00  }
0x23: {  	[tilespmem:s18], [sflag:$0x1] =	stream.indirect.gather [hbm4b:s5+s15], $0x30, s26, s15, $0xb8;
	[tilespmem:$0xC310] =	vst v63  }
0x24: {  	s29 =	simm.s32 $0x8B88  }
0x25: {  	[spmem:s3] =	stream.indirect.scatter.add.f32 [tilespmem:s16], [sflag:$0x2], $0x30, s29, s15, $0xb8;
	[tilespmem:$0xC310] =	vst v63  }
0x26: {  	_ =	swait.ge [sflag:s12], $0x1200  }
0x27: {  	[sflag:s12] =	ssyncset.done $0x0  }
0x28: {  	[sflag:s12] =	ssyncadd.s32 $0xFFFFEE00  }
0x29: {  	_ =	swait.ge [sflag:s17], $0x1200  }
0x2a: {  	[sflag:s17] =	ssyncset.done $0x0  }
0x2b: {  	s30 =	simm.s32 $0x78C0;
	[sflag:s17] =	ssyncadd.s32 $0xFFFFEE00  }
0x2c: {  	[tilespmem:s16], [sflag:$0x1] =	stream.indirect.gather [hbm4b:s5+s15], $0x30, s30, s15, $0xb8;
	[tilespmem:$0xC310] =	vst v63  }
0x2d: {  	s31 =	simm.s32 $0x8BE8  }
0x2e: {  	[spmem:s3] =	stream.indirect.scatter.add.f32 [tilespmem:s18], [sflag:$0x2], $0x30, s31, s15, $0xb8;
	[tilespmem:$0xC310] =	vst v63  }
0x2f: {  	_ =	swait.ge [sflag:s12], $0x1200  }
0x30: {  	s26 =	simm.s32 $0x300;
	[sflag:s12] =	ssyncset.done $0x0  }
.LBB2_2:
0x31: {  	p0 =	sne.s32 s26, $0x4800  }
0x32: {  	[sflag:s12] =	ssyncadd.s32 $0xFFFFEE00;
	s28 =	smov.u32 s26;
	s26 =	sadd.s32 $0x300, s26  }
0x33: {  	_ = 	snop  }
0x34: {  	_ =	swait.ge [sflag:s17], $0x1200  }
0x35: {  	s28 =	sshra.s32 s28, $0x2;
	[sflag:s17] =	ssyncset.done $0x0  }
0x36: {  	s29 =	sadd.s32 $0x7860, s28;
	[sflag:s17] =	ssyncadd.s32 $0xFFFFEE00  }
0x37: {  	[tilespmem:s18], [sflag:$0x1] =	stream.indirect.gather [hbm4b:s5+s15], $0x30, s29, s15, $0xb8;
	[tilespmem:$0xC310] =	vst v63  }
0x38: {  	s29 =	sadd.s32 $0x8B88, s28  }
0x39: {  	[spmem:s3] =	stream.indirect.scatter.add.f32 [tilespmem:s16], [sflag:$0x2], $0x30, s29, s15, $0xb8;
	[tilespmem:$0xC310] =	vst v63  }
0x3a: {  	_ =	swait.ge [sflag:s12], $0x1200  }
0x3b: {  	[sflag:s12] =	ssyncset.done $0x0  }
0x3c: {  	[sflag:s12] =	ssyncadd.s32 $0xFFFFEE00  }
0x3d: {  	_ =	swait.ge [sflag:s17], $0x1200  }
0x3e: {  	[sflag:s17] =	ssyncset.done $0x0  }
0x3f: {  	s29 =	sadd.s32 $0x78C0, s28;
	[sflag:s17] =	ssyncadd.s32 $0xFFFFEE00  }
0x40: {  	[tilespmem:s16], [sflag:$0x1] =	stream.indirect.gather [hbm4b:s5+s15], $0x30, s29, s15, $0xb8;
	[tilespmem:$0xC310] =	vst v63  }
.Ltmp0:
0x41: {  	_ = 	snop;
	(pc) =	sbr.rel @p0 .LBB2_2-.Ltmp0, $4  }
0x42: {  	s28 =	sadd.s32 $0x8BE8, s28  }
0x43: {  	[spmem:s3] =	stream.indirect.scatter.add.f32 [tilespmem:s18], [sflag:$0x2], $0x30, s28, s15, $0xb8;
	[tilespmem:$0xC310] =	vst v63  }
0x44: {  	_ =	swait.ge [sflag:s12], $0x1200  }
0x45: {  	[sflag:s12] =	ssyncset.done $0x0  }
0x46: {  	[sflag:s12] =	ssyncadd.s32 $0xFFFFEE00  }
0x47: {  	_ =	swait.ge [sflag:s17], $0x1200  }
0x48: {  	[sflag:s17] =	ssyncset.done $0x0  }
0x49: {  	[sflag:s17] =	ssyncadd.s32 $0xFFFFEE00  }
0x4a: {  	[tilespmem:s18], [sflag:$0x1] =	stream.indirect.gather [hbm4b:s5+s15], $0x30, s19, s15, $0xb8;
	[tilespmem:$0xC310] =	vst v63  }
0x4b: {  	_ = 	snop  }
0x4c: {  	[spmem:s3] =	stream.indirect.scatter.add.f32 [tilespmem:s16], [sflag:$0x2], $0x30, s20, s15, $0xb8;
	[tilespmem:$0xC310] =	vst v63  }
0x4d: {  	_ =	swait.ge [sflag:s12], $0x1200  }
0x4e: {  	[sflag:s12] =	ssyncset.done $0x0  }
0x4f: {  	[sflag:s12] =	ssyncadd.s32 $0xFFFFEE00  }
0x50: {  	_ =	swait.ge [sflag:s17], $0x1200  }
0x51: {  	[sflag:s17] =	ssyncset.done $0x0  }
0x52: {  	[sflag:s17] =	ssyncadd.s32 $0xFFFFEE00  }
0x53: {  	[tilespmem:s16], [sflag:$0x1] =	stream.indirect.gather [hbm4b:s5+s21], $0x30, s22, s21, $0xb8;
	[tilespmem:$0xC310] =	vst v63  }
0x54: {  	_ = 	snop  }
0x55: {  	[spmem:s3] =	stream.indirect.scatter.add.f32 [tilespmem:s18], [sflag:$0x2], $0x30, s23, s15, $0xb8;
	[tilespmem:$0xC310] =	vst v63  }
0x56: {  	_ =	swait.ge [sflag:s12], $0x1200  }
0x57: {  	[sflag:s12] =	ssyncset.done $0x0  }
0x58: {  	[sflag:s12] =	ssyncadd.s32 $0xFFFFEE00  }
0x59: {  	_ =	swait.ge [sflag:s17], $0x180  }
0x5a: {  	[sflag:s17] =	ssyncset.done $0x0  }
0x5b: {  	[sflag:s17] =	ssyncadd.s32 $0xFFFFFE80  }
0x5c: {  	[spmem:s3] =	stream.indirect.scatter.add.f32 [tilespmem:s16], [sflag:$0x2], $0x30, s24, s21, $0xb8;
	[tilespmem:$0xC310] =	vst v63  }
0x5d: {  	_ =	swait.ge [sflag:s12], $0x180  }
0x5e: {  	s25 =	sadd.s32 $0x1, s25;
	[sflag:s12] =	ssyncset.done $0x0  }
0x5f: {  	p0 =	sne.s32 s25, s10;
	[sflag:s12] =	ssyncadd.s32 $0xFFFFFE80  }
.Ltmp1:
0x60: {  	[bflag:$0x0] =	sbarrier.arrive $0xFFFF;
	(pc) =	sbr.rel @p0 .LBB2_1-.Ltmp1, $4  }
0x61: {  	[hbm:s9], [sflag:s6] =	dma.local [spmem:s11], $0xF00  }
0x62: {  	_ =	swait.ge [sflag:s12], $0xF00  }
0x63: {  	[sflag:s12] =	ssyncset.done $0x0  }
0x64: {  	[sflag:s12] =	ssyncadd.s32 $0xFFFFF100  }
0x65: {  	_ =	sfence.sel $0x180000  }
0x66: {  	[bflag:$0x0] =	sbarrier.arrive $0xFFFF  }
0x67: {  	p0 =	sne.s32 s0, $0x0;
	_ =	strace $0x9000004A  }
0x68: {  	s0 =	sadd.s32 @!p0 $0x100000, s1;
	[bflag:$0x2] =	sbarrier.arrive $0xFFFF  }
0x69: {  	[sflag:s0] =	ssyncadd.tile.s32 @!p0 $0x1;
	_ =	shalt  }
.Lfunc_end2:
_tile_overlayer_lowered:
.L_overlay_start_2:
0x6a: {  	(tag) =	ssettag $0x2  }
0x6b: {  	s0 =	rddreg [dreg:$0x0];
	s2 =	stileid.u32  }
0x6c: {  	s1 =	rddreg [dreg:$0x1];
	p0 =	sne.s32 s2, $0x0  }
0x6d: {  	s3 =	rddreg [dreg:$0x2];
	[bflag:$0x3] =	sbarrier.arrive $0xFFFF;
	s2 =	simm.s32 @!p0 $0x1C02  }
0x6e: {  	[timem:s3], [sflag:s2] =	dma.local @!p0 [hbm:s0], s1  }
0x6f: {  	s0 =	simm.s32 @!p0 $0x2  }
0x70: {  	_ =	swait.ge @!p0 [sflag:s0], s1  }
0x71: {  	s1 =	ssub.s32 @!p0 $0x0, s1;
	[sflag:s0] =	ssyncset.done @!p0 $0x0  }
0x72: {  	[sflag:s0] =	ssyncadd.s32 @!p0 s1  }
0x73: {  	[bflag:$0x3] =	sbarrier.arrive $0xFFFF  }
0x74: {  	_ =	shalt  }

</sc_bundles>
